<compile_context>
chip_gen: v7x
topology: tpu7x:2x2x1
jax: 0.10.2.dev20260603
libtpu: 0.0.44.dev20260713+nightly
codegen_flags: <defaults>
</compile_context>

<pallas_src>
import jax
import jax.numpy as jnp
from jax import lax
from jax.experimental import pallas as pl
from jax.experimental.pallas import tpu as pltpu
from jax.experimental.pallas import tpu_sc as plsc

B = 128
N = 32768
K = 64

NUM_CORES = 2
NUM_SUBCORES = 16
LANES = 16
NUM_WORKERS = NUM_CORES * NUM_SUBCORES
ROWS_PER_WORKER = B // NUM_WORKERS
K_CHUNKS = K // LANES
IDX_PER_WORKER = ROWS_PER_WORKER * K
GATHER_SPLITS = IDX_PER_WORKER // 128


def _sc_body(x1_hbm, pm_hbm, out_hbm, idx_v, gidx_v, vals_v, row0_v, row1_v,
             sem_g, sem0, sem1):
    wid = lax.axis_index("s") * NUM_CORES + lax.axis_index("c")
    base_row = wid * ROWS_PER_WORKER
    neg_inf = jnp.full((LANES,), -jnp.inf, dtype=jnp.float32)

    pm_copy = pltpu.async_copy(
        pm_hbm.at[pl.ds(base_row, ROWS_PER_WORKER)], idx_v, sem_g)

    def _fill(buf):
        def body(j, carry):
            base = j * (8 * LANES)
            for u in range(8):
                buf[pl.ds(base + u * LANES, LANES)] = neg_inf
            return carry
        lax.fori_loop(0, N // (8 * LANES), body, 0)

    _fill(row0_v)
    pm_copy.wait()

    for r in range(ROWS_PER_WORKER):
        i = base_row + r
        row_base = (i >> 3) * ((N // 128) * 1024) + (i & 7) * 128
        for c in range(K_CHUNKS):
            pos = r * K + c * LANES
            lidx = idx_v.at[r][pl.ds(c * LANES, LANES)]
            gidx_v.at[pos >> 7][pl.ds(pos & 127, LANES)] = (
                row_base + ((lidx >> 7) << 10) + (lidx & 127))

    gathers = [
        pltpu.async_copy(x1_hbm.at[gidx_v.at[j]], vals_v.at[j], sem_g)
        for j in range(GATHER_SPLITS)
    ]

    _fill(row1_v)

    for g in gathers:
        g.wait()

    for j in range(GATHER_SPLITS):
        for c in range(128 // LANES):
            v = vals_v.at[j][pl.ds(c * LANES, LANES)]
            vals_v.at[j][pl.ds(c * LANES, LANES)] = jnp.where(
                v == 0.0, neg_inf, v)

    bufs = (row0_v, row1_v)
    sems = (sem0, sem1)
    out_copies = {}
    for r in range(ROWS_PER_WORKER):
        buf = bufs[r % 2]
        if r >= 2:
            out_copies[r - 2].wait()
            for c in range(K_CHUNKS):
                lidx = idx_v.at[r - 2][pl.ds(c * LANES, LANES)]
                plsc.store_scatter(buf, [lidx], neg_inf)
        for c in range(K_CHUNKS):
            pos = r * K + c * LANES
            lidx = idx_v.at[r][pl.ds(c * LANES, LANES)]
            vals = vals_v.at[pos >> 7][pl.ds(pos & 127, LANES)]
            plsc.store_scatter(buf, [lidx], vals)
        out_copies[r] = pltpu.async_copy(buf, out_hbm.at[base_row + r],
                                         sems[r % 2])
    for r in (ROWS_PER_WORKER - 2, ROWS_PER_WORKER - 1):
        out_copies[r].wait()


_SC_SCRATCH = [
    pltpu.VMEM((ROWS_PER_WORKER, K), jnp.int32),
    pltpu.VMEM((GATHER_SPLITS, 128), jnp.int32),
    pltpu.VMEM((GATHER_SPLITS, 128), jnp.float32),
    pltpu.VMEM((N,), jnp.float32),
    pltpu.VMEM((N,), jnp.float32),
    pltpu.SemaphoreType.DMA,
    pltpu.SemaphoreType.DMA,
    pltpu.SemaphoreType.DMA,
]

_filter_legal_moves_sc = pl.kernel(
    _sc_body,
    mesh=plsc.VectorSubcoreMesh(core_axis_name="c", subcore_axis_name="s",
                                num_cores=NUM_CORES,
                                num_subcores=NUM_SUBCORES),
    out_type=jax.ShapeDtypeStruct((B, N), jnp.float32),
    scratch_types=_SC_SCRATCH,
    compiler_params=pltpu.CompilerParams(needs_layout_passes=False),
)


def kernel(x, possible_moves):
    x1 = x.reshape(B // 8, 8, N // 128, 128).transpose(0, 2, 1, 3).reshape(-1)
    pm = possible_moves.astype(jnp.int32)
    return _filter_legal_moves_sc(x1, pm)

# --- scband reference (transcript-rebuilt; emitter-appended) ---
"""Pipeline reference for scband-filter-legal-moves-90056874262977 (READ-ONLY COPY).

The authoritative reference and input builder live on the scoring server;
editing this copy changes nothing except your own understanding.
"""

import jax, jax.numpy as jnp
import numpy as np

B = 128
N = 32768
K = 64

def setup_inputs(seed: int = 0) -> dict:
    key = jax.random.key(seed)
    k1, k2 = jax.random.split(key)
    x = jax.random.normal(k1, (B, N), dtype=jnp.float32)
    possible_moves = jax.random.randint(k2, (B, K), 0, N, dtype=jnp.int64)
    return {"x": x, "possible_moves": possible_moves}

def reference(x, possible_moves):
    # Build 0/1 mask: actions_tensor[i, legal_moves[i]] = 1.0 (vectorized scatter-set)
    batch_idx = jnp.arange(x.shape[0])[:, None]
    actions_tensor = jnp.zeros(x.shape, dtype=x.dtype)
    actions_tensor = actions_tensor.at[batch_idx, possible_moves].set(1.0)
    filtered_actions = x * actions_tensor
    # filtered_actions[filtered_actions == 0] = -inf
    filtered_actions = jnp.where(filtered_actions == 0, -jnp.inf, filtered_actions)
    return filtered_actions

if __name__ == "__main__":
    import jax
    _d = setup_inputs()
    print(jax.jit(kernel)(*tuple(_d.values())))

</pallas_src>

<mosaic_0001>
#map = affine_map<(d0, d1) -> (0)>
#map1 = affine_map<(d0, d1) -> (0, 0)>
module attributes {stable_mosaic.version = 14 : i64} {
  func.func @_sc_body(%arg0: i32, %arg1: i32, %arg2: memref<4194304xf32, #tpu.memory_space<hbm>>, %arg3: memref<128x64xi32, #tpu.memory_space<hbm>>, %arg4: memref<128x32768xf32, #tpu.memory_space<hbm>>, %arg5: memref<4x64xi32, #tpu.memory_space<vmem>>, %arg6: memref<2x128xi32, #tpu.memory_space<vmem>>, %arg7: memref<2x128xf32, #tpu.memory_space<vmem>>, %arg8: memref<32768xf32, #tpu.memory_space<vmem>>, %arg9: memref<32768xf32, #tpu.memory_space<vmem>>, %arg10: memref<!tpu.dma_semaphore, #tpu.memory_space<semaphore_mem>>, %arg11: memref<!tpu.dma_semaphore, #tpu.memory_space<semaphore_mem>>, %arg12: memref<!tpu.dma_semaphore, #tpu.memory_space<semaphore_mem>>) attributes {dimension_semantics = [#tpu.dimension_semantics<core_parallel>, #tpu.dimension_semantics<subcore_parallel>], iteration_bounds = array<i64: 2, 16>, scalar_prefetch = 0 : i64, scratch_operands = 8 : i64, tpu.core_type = #tpu.core_type<sc_vector_subcore>, window_params = [{transform_indices = #map}, {transform_indices = #map1}, {transform_indices = #map1}]} {
    %mul3A = arith.constant 2 : i32
    %mul3A_0 = arith.muli %arg1, %mul3A : i32
    %add3A = arith.addi %mul3A_0, %arg0 : i32
    %mul3A_1 = arith.constant 4 : i32
    %mul3A_2 = arith.muli %add3A, %mul3A_1 : i32
    %broadcast_in_dim3A = arith.constant 0xFF800000 : f32
    %broadcast_in_dim3A_3 = vector.broadcast %broadcast_in_dim3A : f32 to vector<16xf32>
    %dma_start3A = arith.constant 0 : i32
    %dma_start3A_4 = tpu.memref_slice %arg3[%mul3A_2, %dma_start3A] : memref<128x64xi32, #tpu.memory_space<hbm>> -> memref<4x64xi32, #tpu.memory_space<hbm>>
    %dma_start3A_5 = arith.constant 0 : i32
    %dma_start3A_6 = tpu.memref_slice %arg3[%mul3A_2, %dma_start3A_5] : memref<128x64xi32, #tpu.memory_space<hbm>> -> memref<4x64xi32, #tpu.memory_space<hbm>>
    tpu.enqueue_dma source(%dma_start3A_6 : memref<4x64xi32, #tpu.memory_space<hbm>>) target(%arg5 : memref<4x64xi32, #tpu.memory_space<vmem>>) target_semaphore(%arg10 : memref<!tpu.dma_semaphore, #tpu.memory_space<semaphore_mem>>)
    %scan3A = arith.constant 0 : i32
    %scan3A_7 = arith.constant 0 : i32
    %scan3A_8 = arith.constant 256 : i32
    %scan3A_9 = arith.addi %scan3A_7, %scan3A_8 : i32
    %scan3A_10 = arith.constant 1 : i32
    scf.for %scan3A_1034 = %scan3A_7 to %scan3A_9 step %scan3A_10  : i32 {
      %mul3A_1035 = arith.constant 128 : i32
      %mul3A_1036 = arith.muli %scan3A_1034, %mul3A_1035 : i32
      %add3A_1037 = arith.constant 0 : i32
      %add3A_1038 = arith.addi %mul3A_1036, %add3A_1037 : i32
      %swap3A_1039 = arith.index_cast %add3A_1038 : i32 to index
      %swap3A_1040 = tpu.vector_load %arg8[%swap3A_1039] {strides = array<i32>} : memref<32768xf32, #tpu.memory_space<vmem>>, vector<16xf32>,
      tpu.vector_store %arg8[%swap3A_1039], %broadcast_in_dim3A_3 {strides = array<i32>} : memref<32768xf32, #tpu.memory_space<vmem>>, vector<16xf32>,
      %add3A_1041 = arith.constant 16 : i32
      %add3A_1042 = arith.addi %mul3A_1036, %add3A_1041 : i32
      %swap3A_1043 = arith.index_cast %add3A_1042 : i32 to index
      %swap3A_1044 = tpu.vector_load %arg8[%swap3A_1043] {strides = array<i32>} : memref<32768xf32, #tpu.memory_space<vmem>>, vector<16xf32>,
      tpu.vector_store %arg8[%swap3A_1043], %broadcast_in_dim3A_3 {strides = array<i32>} : memref<32768xf32, #tpu.memory_space<vmem>>, vector<16xf32>,
      %add3A_1045 = arith.constant 32 : i32
      %add3A_1046 = arith.addi %mul3A_1036, %add3A_1045 : i32
      %swap3A_1047 = arith.index_cast %add3A_1046 : i32 to index
      %swap3A_1048 = tpu.vector_load %arg8[%swap3A_1047] {strides = array<i32>} : memref<32768xf32, #tpu.memory_space<vmem>>, vector<16xf32>,
      tpu.vector_store %arg8[%swap3A_1047], %broadcast_in_dim3A_3 {strides = array<i32>} : memref<32768xf32, #tpu.memory_space<vmem>>, vector<16xf32>,
      %add3A_1049 = arith.constant 48 : i32
      %add3A_1050 = arith.addi %mul3A_1036, %add3A_1049 : i32
      %swap3A_1051 = arith.index_cast %add3A_1050 : i32 to index
      %swap3A_1052 = tpu.vector_load %arg8[%swap3A_1051] {strides = array<i32>} : memref<32768xf32, #tpu.memory_space<vmem>>, vector<16xf32>,
      tpu.vector_store %arg8[%swap3A_1051], %broadcast_in_dim3A_3 {strides = array<i32>} : memref<32768xf32, #tpu.memory_space<vmem>>, vector<16xf32>,
      %add3A_1053 = arith.constant 64 : i32
      %add3A_1054 = arith.addi %mul3A_1036, %add3A_1053 : i32
      %swap3A_1055 = arith.index_cast %add3A_1054 : i32 to index
      %swap3A_1056 = tpu.vector_load %arg8[%swap3A_1055] {strides = array<i32>} : memref<32768xf32, #tpu.memory_space<vmem>>, vector<16xf32>,
      tpu.vector_store %arg8[%swap3A_1055], %broadcast_in_dim3A_3 {strides = array<i32>} : memref<32768xf32, #tpu.memory_space<vmem>>, vector<16xf32>,
      %add3A_1057 = arith.constant 80 : i32
      %add3A_1058 = arith.addi %mul3A_1036, %add3A_1057 : i32
      %swap3A_1059 = arith.index_cast %add3A_1058 : i32 to index
      %swap3A_1060 = tpu.vector_load %arg8[%swap3A_1059] {strides = array<i32>} : memref<32768xf32, #tpu.memory_space<vmem>>, vector<16xf32>,
      tpu.vector_store %arg8[%swap3A_1059], %broadcast_in_dim3A_3 {strides = array<i32>} : memref<32768xf32, #tpu.memory_space<vmem>>, vector<16xf32>,
      %add3A_1061 = arith.constant 96 : i32
      %add3A_1062 = arith.addi %mul3A_1036, %add3A_1061 : i32
      %swap3A_1063 = arith.index_cast %add3A_1062 : i32 to index
      %swap3A_1064 = tpu.vector_load %arg8[%swap3A_1063] {strides = array<i32>} : memref<32768xf32, #tpu.memory_space<vmem>>, vector<16xf32>,
      tpu.vector_store %arg8[%swap3A_1063], %broadcast_in_dim3A_3 {strides = array<i32>} : memref<32768xf32, #tpu.memory_space<vmem>>, vector<16xf32>,
      %add3A_1065 = arith.constant 112 : i32
      %add3A_1066 = arith.addi %mul3A_1036, %add3A_1065 : i32
      %swap3A_1067 = arith.index_cast %add3A_1066 : i32 to index
      %swap3A_1068 = tpu.vector_load %arg8[%swap3A_1067] {strides = array<i32>} : memref<32768xf32, #tpu.memory_space<vmem>>, vector<16xf32>,
      tpu.vector_store %arg8[%swap3A_1067], %broadcast_in_dim3A_3 {strides = array<i32>} : memref<32768xf32, #tpu.memory_space<vmem>>, vector<16xf32>,
    }
    %scan3A_11 = arith.constant 256 : i32
    %dma_wait3A = arith.constant 0 : i32
    %dma_wait3A_12 = tpu.memref_slice %arg3[%mul3A_2, %dma_wait3A] : memref<128x64xi32, #tpu.memory_space<hbm>> -> memref<4x64xi32, #tpu.memory_space<hbm>>
    %dma_wait3A_13 = arith.constant 0 : i32
    %dma_wait3A_14 = tpu.memref_slice %arg3[%mul3A_2, %dma_wait3A_13] : memref<128x64xi32, #tpu.memory_space<hbm>> -> memref<4x64xi32, #tpu.memory_space<hbm>>
    tpu.wait_dma2 semaphore(%arg10 : memref<!tpu.dma_semaphore, #tpu.memory_space<semaphore_mem>>) src(%dma_wait3A_14 : memref<4x64xi32, #tpu.memory_space<hbm>>) dst(%arg5 : memref<4x64xi32, #tpu.memory_space<vmem>>)
    %add3A_15 = arith.constant 0 : i32
    %add3A_16 = arith.addi %mul3A_2, %add3A_15 : i32
    %shift_right_arithmetic3A = arith.constant 3 : i32
    %shift_right_arithmetic3A_17 = arith.shrsi %add3A_16, %shift_right_arithmetic3A : i32
    %mul3A_18 = arith.constant 262144 : i32
    %mul3A_19 = arith.muli %shift_right_arithmetic3A_17, %mul3A_18 : i32
    %and3A = arith.constant 7 : i32
    %and3A_20 = arith.andi %add3A_16, %and3A : i32
    %mul3A_21 = arith.constant 128 : i32
    %mul3A_22 = arith.muli %and3A_20, %mul3A_21 : i32
    %add3A_23 = arith.addi %mul3A_19, %mul3A_22 : i32
    %get3A = arith.constant 0 : i32
    %get3A_24 = arith.constant 0 : i32
    %get3A_25 = tpu.memref_slice %arg5[%get3A, %get3A_24] : memref<4x64xi32, #tpu.memory_space<vmem>> -> memref<1x64xi32, #tpu.memory_space<vmem>>
    %get3A_26 = tpu.memref_squeeze %get3A_25 : memref<1x64xi32, #tpu.memory_space<vmem>> -> memref<64xi32, #tpu.memory_space<vmem>>
    %get3A_27 = arith.constant 0 : index
    %get3A_28 = tpu.vector_load %get3A_26[%get3A_27] {strides = array<i32>} : memref<64xi32, #tpu.memory_space<vmem>>, vector<16xi32>,
    %shift_right_arithmetic3A_29 = arith.constant 7 : i32
    %shift_right_arithmetic3A_30 = vector.broadcast %shift_right_arithmetic3A_29 : i32 to vector<16xi32>
    %shift_right_arithmetic3A_31 = arith.shrsi %get3A_28, %shift_right_arithmetic3A_30 : vector<16xi32>
    %shift_left3A = arith.constant 10 : i32
    %shift_left3A_32 = vector.broadcast %shift_left3A : i32 to vector<16xi32>
    %shift_left3A_33 = arith.shli %shift_right_arithmetic3A_31, %shift_left3A_32 : vector<16xi32>
    %add3A_34 = vector.broadcast %add3A_23 : i32 to vector<16xi32>
    %add3A_35 = arith.addi %add3A_34, %shift_left3A_33 : vector<16xi32>
    %and3A_36 = arith.constant 127 : i32
    %and3A_37 = vector.broadcast %and3A_36 : i32 to vector<16xi32>
    %and3A_38 = arith.andi %get3A_28, %and3A_37 : vector<16xi32>
    %add3A_39 = arith.addi %add3A_35, %and3A_38 : vector<16xi32>
    %swap3A = arith.constant 0 : i32
    %swap3A_40 = arith.constant 0 : i32
    %swap3A_41 = tpu.memref_slice %arg6[%swap3A, %swap3A_40] : memref<2x128xi32, #tpu.memory_space<vmem>> -> memref<1x128xi32, #tpu.memory_space<vmem>>
    %swap3A_42 = tpu.memref_squeeze %swap3A_41 : memref<1x128xi32, #tpu.memory_space<vmem>> -> memref<128xi32, #tpu.memory_space<vmem>>
    %swap3A_43 = arith.constant 0 : index
    %swap3A_44 = tpu.vector_load %swap3A_42[%swap3A_43] {strides = array<i32>} : memref<128xi32, #tpu.memory_space<vmem>>, vector<16xi32>,
    tpu.vector_store %swap3A_42[%swap3A_43], %add3A_39 {strides = array<i32>} : memref<128xi32, #tpu.memory_space<vmem>>, vector<16xi32>,
    %get3A_45 = arith.constant 0 : i32
    %get3A_46 = arith.constant 0 : i32
    %get3A_47 = tpu.memref_slice %arg5[%get3A_45, %get3A_46] : memref<4x64xi32, #tpu.memory_space<vmem>> -> memref<1x64xi32, #tpu.memory_space<vmem>>
    %get3A_48 = tpu.memref_squeeze %get3A_47 : memref<1x64xi32, #tpu.memory_space<vmem>> -> memref<64xi32, #tpu.memory_space<vmem>>
    %get3A_49 = arith.constant 16 : index
    %get3A_50 = tpu.vector_load %get3A_48[%get3A_49] {strides = array<i32>} : memref<64xi32, #tpu.memory_space<vmem>>, vector<16xi32>,
    %shift_right_arithmetic3A_51 = arith.constant 7 : i32
    %shift_right_arithmetic3A_52 = vector.broadcast %shift_right_arithmetic3A_51 : i32 to vector<16xi32>
    %shift_right_arithmetic3A_53 = arith.shrsi %get3A_50, %shift_right_arithmetic3A_52 : vector<16xi32>
    %shift_left3A_54 = arith.constant 10 : i32
    %shift_left3A_55 = vector.broadcast %shift_left3A_54 : i32 to vector<16xi32>
    %shift_left3A_56 = arith.shli %shift_right_arithmetic3A_53, %shift_left3A_55 : vector<16xi32>
    %add3A_57 = vector.broadcast %add3A_23 : i32 to vector<16xi32>
    %add3A_58 = arith.addi %add3A_57, %shift_left3A_56 : vector<16xi32>
    %and3A_59 = arith.constant 127 : i32
    %and3A_60 = vector.broadcast %and3A_59 : i32 to vector<16xi32>
    %and3A_61 = arith.andi %get3A_50, %and3A_60 : vector<16xi32>
    %add3A_62 = arith.addi %add3A_58, %and3A_61 : vector<16xi32>
    %swap3A_63 = arith.constant 0 : i32
    %swap3A_64 = arith.constant 0 : i32
    %swap3A_65 = tpu.memref_slice %arg6[%swap3A_63, %swap3A_64] : memref<2x128xi32, #tpu.memory_space<vmem>> -> memref<1x128xi32, #tpu.memory_space<vmem>>
    %swap3A_66 = tpu.memref_squeeze %swap3A_65 : memref<1x128xi32, #tpu.memory_space<vmem>> -> memref<128xi32, #tpu.memory_space<vmem>>
    %swap3A_67 = arith.constant 16 : index
    %swap3A_68 = tpu.vector_load %swap3A_66[%swap3A_67] {strides = array<i32>} : memref<128xi32, #tpu.memory_space<vmem>>, vector<16xi32>,
    tpu.vector_store %swap3A_66[%swap3A_67], %add3A_62 {strides = array<i32>} : memref<128xi32, #tpu.memory_space<vmem>>, vector<16xi32>,
    %get3A_69 = arith.constant 0 : i32
    %get3A_70 = arith.constant 0 : i32
    %get3A_71 = tpu.memref_slice %arg5[%get3A_69, %get3A_70] : memref<4x64xi32, #tpu.memory_space<vmem>> -> memref<1x64xi32, #tpu.memory_space<vmem>>
    %get3A_72 = tpu.memref_squeeze %get3A_71 : memref<1x64xi32, #tpu.memory_space<vmem>> -> memref<64xi32, #tpu.memory_space<vmem>>
    %get3A_73 = arith.constant 32 : index
    %get3A_74 = tpu.vector_load %get3A_72[%get3A_73] {strides = array<i32>} : memref<64xi32, #tpu.memory_space<vmem>>, vector<16xi32>,
    %shift_right_arithmetic3A_75 = arith.constant 7 : i32
    %shift_right_arithmetic3A_76 = vector.broadcast %shift_right_arithmetic3A_75 : i32 to vector<16xi32>
    %shift_right_arithmetic3A_77 = arith.shrsi %get3A_74, %shift_right_arithmetic3A_76 : vector<16xi32>
    %shift_left3A_78 = arith.constant 10 : i32
    %shift_left3A_79 = vector.broadcast %shift_left3A_78 : i32 to vector<16xi32>
    %shift_left3A_80 = arith.shli %shift_right_arithmetic3A_77, %shift_left3A_79 : vector<16xi32>
    %add3A_81 = vector.broadcast %add3A_23 : i32 to vector<16xi32>
    %add3A_82 = arith.addi %add3A_81, %shift_left3A_80 : vector<16xi32>
    %and3A_83 = arith.constant 127 : i32
    %and3A_84 = vector.broadcast %and3A_83 : i32 to vector<16xi32>
    %and3A_85 = arith.andi %get3A_74, %and3A_84 : vector<16xi32>
    %add3A_86 = arith.addi %add3A_82, %and3A_85 : vector<16xi32>
    %swap3A_87 = arith.constant 0 : i32
    %swap3A_88 = arith.constant 0 : i32
    %swap3A_89 = tpu.memref_slice %arg6[%swap3A_87, %swap3A_88] : memref<2x128xi32, #tpu.memory_space<vmem>> -> memref<1x128xi32, #tpu.memory_space<vmem>>
    %swap3A_90 = tpu.memref_squeeze %swap3A_89 : memref<1x128xi32, #tpu.memory_space<vmem>> -> memref<128xi32, #tpu.memory_space<vmem>>
    %swap3A_91 = arith.constant 32 : index
    %swap3A_92 = tpu.vector_load %swap3A_90[%swap3A_91] {strides = array<i32>} : memref<128xi32, #tpu.memory_space<vmem>>, vector<16xi32>,
    tpu.vector_store %swap3A_90[%swap3A_91], %add3A_86 {strides = array<i32>} : memref<128xi32, #tpu.memory_space<vmem>>, vector<16xi32>,
    %get3A_93 = arith.constant 0 : i32
    %get3A_94 = arith.constant 0 : i32
    %get3A_95 = tpu.memref_slice %arg5[%get3A_93, %get3A_94] : memref<4x64xi32, #tpu.memory_space<vmem>> -> memref<1x64xi32, #tpu.memory_space<vmem>>
    %get3A_96 = tpu.memref_squeeze %get3A_95 : memref<1x64xi32, #tpu.memory_space<vmem>> -> memref<64xi32, #tpu.memory_space<vmem>>
    %get3A_97 = arith.constant 48 : index
    %get3A_98 = tpu.vector_load %get3A_96[%get3A_97] {strides = array<i32>} : memref<64xi32, #tpu.memory_space<vmem>>, vector<16xi32>,
    %shift_right_arithmetic3A_99 = arith.constant 7 : i32
    %shift_right_arithmetic3A_100 = vector.broadcast %shift_right_arithmetic3A_99 : i32 to vector<16xi32>
    %shift_right_arithmetic3A_101 = arith.shrsi %get3A_98, %shift_right_arithmetic3A_100 : vector<16xi32>
    %shift_left3A_102 = arith.constant 10 : i32
    %shift_left3A_103 = vector.broadcast %shift_left3A_102 : i32 to vector<16xi32>
    %shift_left3A_104 = arith.shli %shift_right_arithmetic3A_101, %shift_left3A_103 : vector<16xi32>
    %add3A_105 = vector.broadcast %add3A_23 : i32 to vector<16xi32>
    %add3A_106 = arith.addi %add3A_105, %shift_left3A_104 : vector<16xi32>
    %and3A_107 = arith.constant 127 : i32
    %and3A_108 = vector.broadcast %and3A_107 : i32 to vector<16xi32>
    %and3A_109 = arith.andi %get3A_98, %and3A_108 : vector<16xi32>
    %add3A_110 = arith.addi %add3A_106, %and3A_109 : vector<16xi32>
    %swap3A_111 = arith.constant 0 : i32
    %swap3A_112 = arith.constant 0 : i32
    %swap3A_113 = tpu.memref_slice %arg6[%swap3A_111, %swap3A_112] : memref<2x128xi32, #tpu.memory_space<vmem>> -> memref<1x128xi32, #tpu.memory_space<vmem>>
    %swap3A_114 = tpu.memref_squeeze %swap3A_113 : memref<1x128xi32, #tpu.memory_space<vmem>> -> memref<128xi32, #tpu.memory_space<vmem>>
    %swap3A_115 = arith.constant 48 : index
    %swap3A_116 = tpu.vector_load %swap3A_114[%swap3A_115] {strides = array<i32>} : memref<128xi32, #tpu.memory_space<vmem>>, vector<16xi32>,
    tpu.vector_store %swap3A_114[%swap3A_115], %add3A_110 {strides = array<i32>} : memref<128xi32, #tpu.memory_space<vmem>>, vector<16xi32>,
    %add3A_117 = arith.constant 1 : i32
    %add3A_118 = arith.addi %mul3A_2, %add3A_117 : i32
    %shift_right_arithmetic3A_119 = arith.constant 3 : i32
    %shift_right_arithmetic3A_120 = arith.shrsi %add3A_118, %shift_right_arithmetic3A_119 : i32
    %mul3A_121 = arith.constant 262144 : i32
    %mul3A_122 = arith.muli %shift_right_arithmetic3A_120, %mul3A_121 : i32
    %and3A_123 = arith.constant 7 : i32
    %and3A_124 = arith.andi %add3A_118, %and3A_123 : i32
    %mul3A_125 = arith.constant 128 : i32
    %mul3A_126 = arith.muli %and3A_124, %mul3A_125 : i32
    %add3A_127 = arith.addi %mul3A_122, %mul3A_126 : i32
    %get3A_128 = arith.constant 1 : i32
    %get3A_129 = arith.constant 0 : i32
    %get3A_130 = tpu.memref_slice %arg5[%get3A_128, %get3A_129] : memref<4x64xi32, #tpu.memory_space<vmem>> -> memref<1x64xi32, #tpu.memory_space<vmem>>
    %get3A_131 = tpu.memref_squeeze %get3A_130 : memref<1x64xi32, #tpu.memory_space<vmem>> -> memref<64xi32, #tpu.memory_space<vmem>>
    %get3A_132 = arith.constant 0 : index
    %get3A_133 = tpu.vector_load %get3A_131[%get3A_132] {strides = array<i32>} : memref<64xi32, #tpu.memory_space<vmem>>, vector<16xi32>,
    %shift_right_arithmetic3A_134 = arith.constant 7 : i32
    %shift_right_arithmetic3A_135 = vector.broadcast %shift_right_arithmetic3A_134 : i32 to vector<16xi32>
    %shift_right_arithmetic3A_136 = arith.shrsi %get3A_133, %shift_right_arithmetic3A_135 : vector<16xi32>
    %shift_left3A_137 = arith.constant 10 : i32
    %shift_left3A_138 = vector.broadcast %shift_left3A_137 : i32 to vector<16xi32>
    %shift_left3A_139 = arith.shli %shift_right_arithmetic3A_136, %shift_left3A_138 : vector<16xi32>
    %add3A_140 = vector.broadcast %add3A_127 : i32 to vector<16xi32>
    %add3A_141 = arith.addi %add3A_140, %shift_left3A_139 : vector<16xi32>
    %and3A_142 = arith.constant 127 : i32
    %and3A_143 = vector.broadcast %and3A_142 : i32 to vector<16xi32>
    %and3A_144 = arith.andi %get3A_133, %and3A_143 : vector<16xi32>
    %add3A_145 = arith.addi %add3A_141, %and3A_144 : vector<16xi32>
    %swap3A_146 = arith.constant 0 : i32
    %swap3A_147 = arith.constant 0 : i32
    %swap3A_148 = tpu.memref_slice %arg6[%swap3A_146, %swap3A_147] : memref<2x128xi32, #tpu.memory_space<vmem>> -> memref<1x128xi32, #tpu.memory_space<vmem>>
    %swap3A_149 = tpu.memref_squeeze %swap3A_148 : memref<1x128xi32, #tpu.memory_space<vmem>> -> memref<128xi32, #tpu.memory_space<vmem>>
    %swap3A_150 = arith.constant 64 : index
    %swap3A_151 = tpu.vector_load %swap3A_149[%swap3A_150] {strides = array<i32>} : memref<128xi32, #tpu.memory_space<vmem>>, vector<16xi32>,
    tpu.vector_store %swap3A_149[%swap3A_150], %add3A_145 {strides = array<i32>} : memref<128xi32, #tpu.memory_space<vmem>>, vector<16xi32>,
    %get3A_152 = arith.constant 1 : i32
    %get3A_153 = arith.constant 0 : i32
    %get3A_154 = tpu.memref_slice %arg5[%get3A_152, %get3A_153] : memref<4x64xi32, #tpu.memory_space<vmem>> -> memref<1x64xi32, #tpu.memory_space<vmem>>
    %get3A_155 = tpu.memref_squeeze %get3A_154 : memref<1x64xi32, #tpu.memory_space<vmem>> -> memref<64xi32, #tpu.memory_space<vmem>>
    %get3A_156 = arith.constant 16 : index
    %get3A_157 = tpu.vector_load %get3A_155[%get3A_156] {strides = array<i32>} : memref<64xi32, #tpu.memory_space<vmem>>, vector<16xi32>,
    %shift_right_arithmetic3A_158 = arith.constant 7 : i32
    %shift_right_arithmetic3A_159 = vector.broadcast %shift_right_arithmetic3A_158 : i32 to vector<16xi32>
    %shift_right_arithmetic3A_160 = arith.shrsi %get3A_157, %shift_right_arithmetic3A_159 : vector<16xi32>
    %shift_left3A_161 = arith.constant 10 : i32
    %shift_left3A_162 = vector.broadcast %shift_left3A_161 : i32 to vector<16xi32>
    %shift_left3A_163 = arith.shli %shift_right_arithmetic3A_160, %shift_left3A_162 : vector<16xi32>
    %add3A_164 = vector.broadcast %add3A_127 : i32 to vector<16xi32>
    %add3A_165 = arith.addi %add3A_164, %shift_left3A_163 : vector<16xi32>
    %and3A_166 = arith.constant 127 : i32
    %and3A_167 = vector.broadcast %and3A_166 : i32 to vector<16xi32>
    %and3A_168 = arith.andi %get3A_157, %and3A_167 : vector<16xi32>
    %add3A_169 = arith.addi %add3A_165, %and3A_168 : vector<16xi32>
    %swap3A_170 = arith.constant 0 : i32
    %swap3A_171 = arith.constant 0 : i32
    %swap3A_172 = tpu.memref_slice %arg6[%swap3A_170, %swap3A_171] : memref<2x128xi32, #tpu.memory_space<vmem>> -> memref<1x128xi32, #tpu.memory_space<vmem>>
    %swap3A_173 = tpu.memref_squeeze %swap3A_172 : memref<1x128xi32, #tpu.memory_space<vmem>> -> memref<128xi32, #tpu.memory_space<vmem>>
    %swap3A_174 = arith.constant 80 : index
    %swap3A_175 = tpu.vector_load %swap3A_173[%swap3A_174] {strides = array<i32>} : memref<128xi32, #tpu.memory_space<vmem>>, vector<16xi32>,
    tpu.vector_store %swap3A_173[%swap3A_174], %add3A_169 {strides = array<i32>} : memref<128xi32, #tpu.memory_space<vmem>>, vector<16xi32>,
    %get3A_176 = arith.constant 1 : i32
    %get3A_177 = arith.constant 0 : i32
    %get3A_178 = tpu.memref_slice %arg5[%get3A_176, %get3A_177] : memref<4x64xi32, #tpu.memory_space<vmem>> -> memref<1x64xi32, #tpu.memory_space<vmem>>
    %get3A_179 = tpu.memref_squeeze %get3A_178 : memref<1x64xi32, #tpu.memory_space<vmem>> -> memref<64xi32, #tpu.memory_space<vmem>>
    %get3A_180 = arith.constant 32 : index
    %get3A_181 = tpu.vector_load %get3A_179[%get3A_180] {strides = array<i32>} : memref<64xi32, #tpu.memory_space<vmem>>, vector<16xi32>,
    %shift_right_arithmetic3A_182 = arith.constant 7 : i32
    %shift_right_arithmetic3A_183 = vector.broadcast %shift_right_arithmetic3A_182 : i32 to vector<16xi32>
    %shift_right_arithmetic3A_184 = arith.shrsi %get3A_181, %shift_right_arithmetic3A_183 : vector<16xi32>
    %shift_left3A_185 = arith.constant 10 : i32
    %shift_left3A_186 = vector.broadcast %shift_left3A_185 : i32 to vector<16xi32>
    %shift_left3A_187 = arith.shli %shift_right_arithmetic3A_184, %shift_left3A_186 : vector<16xi32>
    %add3A_188 = vector.broadcast %add3A_127 : i32 to vector<16xi32>
    %add3A_189 = arith.addi %add3A_188, %shift_left3A_187 : vector<16xi32>
    %and3A_190 = arith.constant 127 : i32
    %and3A_191 = vector.broadcast %and3A_190 : i32 to vector<16xi32>
    %and3A_192 = arith.andi %get3A_181, %and3A_191 : vector<16xi32>
    %add3A_193 = arith.addi %add3A_189, %and3A_192 : vector<16xi32>
    %swap3A_194 = arith.constant 0 : i32
    %swap3A_195 = arith.constant 0 : i32
    %swap3A_196 = tpu.memref_slice %arg6[%swap3A_194, %swap3A_195] : memref<2x128xi32, #tpu.memory_space<vmem>> -> memref<1x128xi32, #tpu.memory_space<vmem>>
    %swap3A_197 = tpu.memref_squeeze %swap3A_196 : memref<1x128xi32, #tpu.memory_space<vmem>> -> memref<128xi32, #tpu.memory_space<vmem>>
    %swap3A_198 = arith.constant 96 : index
    %swap3A_199 = tpu.vector_load %swap3A_197[%swap3A_198] {strides = array<i32>} : memref<128xi32, #tpu.memory_space<vmem>>, vector<16xi32>,
    tpu.vector_store %swap3A_197[%swap3A_198], %add3A_193 {strides = array<i32>} : memref<128xi32, #tpu.memory_space<vmem>>, vector<16xi32>,
    %get3A_200 = arith.constant 1 : i32
    %get3A_201 = arith.constant 0 : i32
    %get3A_202 = tpu.memref_slice %arg5[%get3A_200, %get3A_201] : memref<4x64xi32, #tpu.memory_space<vmem>> -> memref<1x64xi32, #tpu.memory_space<vmem>>
    %get3A_203 = tpu.memref_squeeze %get3A_202 : memref<1x64xi32, #tpu.memory_space<vmem>> -> memref<64xi32, #tpu.memory_space<vmem>>
    %get3A_204 = arith.constant 48 : index
    %get3A_205 = tpu.vector_load %get3A_203[%get3A_204] {strides = array<i32>} : memref<64xi32, #tpu.memory_space<vmem>>, vector<16xi32>,
    %shift_right_arithmetic3A_206 = arith.constant 7 : i32
    %shift_right_arithmetic3A_207 = vector.broadcast %shift_right_arithmetic3A_206 : i32 to vector<16xi32>
    %shift_right_arithmetic3A_208 = arith.shrsi %get3A_205, %shift_right_arithmetic3A_207 : vector<16xi32>
    %shift_left3A_209 = arith.constant 10 : i32
    %shift_left3A_210 = vector.broadcast %shift_left3A_209 : i32 to vector<16xi32>
    %shift_left3A_211 = arith.shli %shift_right_arithmetic3A_208, %shift_left3A_210 : vector<16xi32>
    %add3A_212 = vector.broadcast %add3A_127 : i32 to vector<16xi32>
    %add3A_213 = arith.addi %add3A_212, %shift_left3A_211 : vector<16xi32>
    %and3A_214 = arith.constant 127 : i32
    %and3A_215 = vector.broadcast %and3A_214 : i32 to vector<16xi32>
    %and3A_216 = arith.andi %get3A_205, %and3A_215 : vector<16xi32>
    %add3A_217 = arith.addi %add3A_213, %and3A_216 : vector<16xi32>
    %swap3A_218 = arith.constant 0 : i32
    %swap3A_219 = arith.constant 0 : i32
    %swap3A_220 = tpu.memref_slice %arg6[%swap3A_218, %swap3A_219] : memref<2x128xi32, #tpu.memory_space<vmem>> -> memref<1x128xi32, #tpu.memory_space<vmem>>
    %swap3A_221 = tpu.memref_squeeze %swap3A_220 : memref<1x128xi32, #tpu.memory_space<vmem>> -> memref<128xi32, #tpu.memory_space<vmem>>
    %swap3A_222 = arith.constant 112 : index
    %swap3A_223 = tpu.vector_load %swap3A_221[%swap3A_222] {strides = array<i32>} : memref<128xi32, #tpu.memory_space<vmem>>, vector<16xi32>,
    tpu.vector_store %swap3A_221[%swap3A_222], %add3A_217 {strides = array<i32>} : memref<128xi32, #tpu.memory_space<vmem>>, vector<16xi32>,
    %add3A_224 = arith.constant 2 : i32
    %add3A_225 = arith.addi %mul3A_2, %add3A_224 : i32
    %shift_right_arithmetic3A_226 = arith.constant 3 : i32
    %shift_right_arithmetic3A_227 = arith.shrsi %add3A_225, %shift_right_arithmetic3A_226 : i32
    %mul3A_228 = arith.constant 262144 : i32
    %mul3A_229 = arith.muli %shift_right_arithmetic3A_227, %mul3A_228 : i32
    %and3A_230 = arith.constant 7 : i32
    %and3A_231 = arith.andi %add3A_225, %and3A_230 : i32
    %mul3A_232 = arith.constant 128 : i32
    %mul3A_233 = arith.muli %and3A_231, %mul3A_232 : i32
    %add3A_234 = arith.addi %mul3A_229, %mul3A_233 : i32
    %get3A_235 = arith.constant 2 : i32
    %get3A_236 = arith.constant 0 : i32
    %get3A_237 = tpu.memref_slice %arg5[%get3A_235, %get3A_236] : memref<4x64xi32, #tpu.memory_space<vmem>> -> memref<1x64xi32, #tpu.memory_space<vmem>>
    %get3A_238 = tpu.memref_squeeze %get3A_237 : memref<1x64xi32, #tpu.memory_space<vmem>> -> memref<64xi32, #tpu.memory_space<vmem>>
    %get3A_239 = arith.constant 0 : index
    %get3A_240 = tpu.vector_load %get3A_238[%get3A_239] {strides = array<i32>} : memref<64xi32, #tpu.memory_space<vmem>>, vector<16xi32>,
    %shift_right_arithmetic3A_241 = arith.constant 7 : i32
    %shift_right_arithmetic3A_242 = vector.broadcast %shift_right_arithmetic3A_241 : i32 to vector<16xi32>
    %shift_right_arithmetic3A_243 = arith.shrsi %get3A_240, %shift_right_arithmetic3A_242 : vector<16xi32>
    %shift_left3A_244 = arith.constant 10 : i32
    %shift_left3A_245 = vector.broadcast %shift_left3A_244 : i32 to vector<16xi32>
    %shift_left3A_246 = arith.shli %shift_right_arithmetic3A_243, %shift_left3A_245 : vector<16xi32>
    %add3A_247 = vector.broadcast %add3A_234 : i32 to vector<16xi32>
    %add3A_248 = arith.addi %add3A_247, %shift_left3A_246 : vector<16xi32>
    %and3A_249 = arith.constant 127 : i32
    %and3A_250 = vector.broadcast %and3A_249 : i32 to vector<16xi32>
    %and3A_251 = arith.andi %get3A_240, %and3A_250 : vector<16xi32>
    %add3A_252 = arith.addi %add3A_248, %and3A_251 : vector<16xi32>
    %swap3A_253 = arith.constant 1 : i32
    %swap3A_254 = arith.constant 0 : i32
    %swap3A_255 = tpu.memref_slice %arg6[%swap3A_253, %swap3A_254] : memref<2x128xi32, #tpu.memory_space<vmem>> -> memref<1x128xi32, #tpu.memory_space<vmem>>
    %swap3A_256 = tpu.memref_squeeze %swap3A_255 : memref<1x128xi32, #tpu.memory_space<vmem>> -> memref<128xi32, #tpu.memory_space<vmem>>
    %swap3A_257 = arith.constant 0 : index
    %swap3A_258 = tpu.vector_load %swap3A_256[%swap3A_257] {strides = array<i32>} : memref<128xi32, #tpu.memory_space<vmem>>, vector<16xi32>,
    tpu.vector_store %swap3A_256[%swap3A_257], %add3A_252 {strides = array<i32>} : memref<128xi32, #tpu.memory_space<vmem>>, vector<16xi32>,
    %get3A_259 = arith.constant 2 : i32
    %get3A_260 = arith.constant 0 : i32
    %get3A_261 = tpu.memref_slice %arg5[%get3A_259, %get3A_260] : memref<4x64xi32, #tpu.memory_space<vmem>> -> memref<1x64xi32, #tpu.memory_space<vmem>>
    %get3A_262 = tpu.memref_squeeze %get3A_261 : memref<1x64xi32, #tpu.memory_space<vmem>> -> memref<64xi32, #tpu.memory_space<vmem>>
    %get3A_263 = arith.constant 16 : index
    %get3A_264 = tpu.vector_load %get3A_262[%get3A_263] {strides = array<i32>} : memref<64xi32, #tpu.memory_space<vmem>>, vector<16xi32>,
    %shift_right_arithmetic3A_265 = arith.constant 7 : i32
    %shift_right_arithmetic3A_266 = vector.broadcast %shift_right_arithmetic3A_265 : i32 to vector<16xi32>
    %shift_right_arithmetic3A_267 = arith.shrsi %get3A_264, %shift_right_arithmetic3A_266 : vector<16xi32>
    %shift_left3A_268 = arith.constant 10 : i32
    %shift_left3A_269 = vector.broadcast %shift_left3A_268 : i32 to vector<16xi32>
    %shift_left3A_270 = arith.shli %shift_right_arithmetic3A_267, %shift_left3A_269 : vector<16xi32>
    %add3A_271 = vector.broadcast %add3A_234 : i32 to vector<16xi32>
    %add3A_272 = arith.addi %add3A_271, %shift_left3A_270 : vector<16xi32>
    %and3A_273 = arith.constant 127 : i32
    %and3A_274 = vector.broadcast %and3A_273 : i32 to vector<16xi32>
    %and3A_275 = arith.andi %get3A_264, %and3A_274 : vector<16xi32>
    %add3A_276 = arith.addi %add3A_272, %and3A_275 : vector<16xi32>
    %swap3A_277 = arith.constant 1 : i32
    %swap3A_278 = arith.constant 0 : i32
    %swap3A_279 = tpu.memref_slice %arg6[%swap3A_277, %swap3A_278] : memref<2x128xi32, #tpu.memory_space<vmem>> -> memref<1x128xi32, #tpu.memory_space<vmem>>
    %swap3A_280 = tpu.memref_squeeze %swap3A_279 : memref<1x128xi32, #tpu.memory_space<vmem>> -> memref<128xi32, #tpu.memory_space<vmem>>
    %swap3A_281 = arith.constant 16 : index
    %swap3A_282 = tpu.vector_load %swap3A_280[%swap3A_281] {strides = array<i32>} : memref<128xi32, #tpu.memory_space<vmem>>, vector<16xi32>,
    tpu.vector_store %swap3A_280[%swap3A_281], %add3A_276 {strides = array<i32>} : memref<128xi32, #tpu.memory_space<vmem>>, vector<16xi32>,
    %get3A_283 = arith.constant 2 : i32
    %get3A_284 = arith.constant 0 : i32
    %get3A_285 = tpu.memref_slice %arg5[%get3A_283, %get3A_284] : memref<4x64xi32, #tpu.memory_space<vmem>> -> memref<1x64xi32, #tpu.memory_space<vmem>>
    %get3A_286 = tpu.memref_squeeze %get3A_285 : memref<1x64xi32, #tpu.memory_space<vmem>> -> memref<64xi32, #tpu.memory_space<vmem>>
    %get3A_287 = arith.constant 32 : index
    %get3A_288 = tpu.vector_load %get3A_286[%get3A_287] {strides = array<i32>} : memref<64xi32, #tpu.memory_space<vmem>>, vector<16xi32>,
    %shift_right_arithmetic3A_289 = arith.constant 7 : i32
    %shift_right_arithmetic3A_290 = vector.broadcast %shift_right_arithmetic3A_289 : i32 to vector<16xi32>
    %shift_right_arithmetic3A_291 = arith.shrsi %get3A_288, %shift_right_arithmetic3A_290 : vector<16xi32>
    %shift_left3A_292 = arith.constant 10 : i32
    %shift_left3A_293 = vector.broadcast %shift_left3A_292 : i32 to vector<16xi32>
    %shift_left3A_294 = arith.shli %shift_right_arithmetic3A_291, %shift_left3A_293 : vector<16xi32>
    %add3A_295 = vector.broadcast %add3A_234 : i32 to vector<16xi32>
    %add3A_296 = arith.addi %add3A_295, %shift_left3A_294 : vector<16xi32>
    %and3A_297 = arith.constant 127 : i32
    %and3A_298 = vector.broadcast %and3A_297 : i32 to vector<16xi32>
    %and3A_299 = arith.andi %get3A_288, %and3A_298 : vector<16xi32>
    %add3A_300 = arith.addi %add3A_296, %and3A_299 : vector<16xi32>
    %swap3A_301 = arith.constant 1 : i32
    %swap3A_302 = arith.constant 0 : i32
    %swap3A_303 = tpu.memref_slice %arg6[%swap3A_301, %swap3A_302] : memref<2x128xi32, #tpu.memory_space<vmem>> -> memref<1x128xi32, #tpu.memory_space<vmem>>
    %swap3A_304 = tpu.memref_squeeze %swap3A_303 : memref<1x128xi32, #tpu.memory_space<vmem>> -> memref<128xi32, #tpu.memory_space<vmem>>
    %swap3A_305 = arith.constant 32 : index
    %swap3A_306 = tpu.vector_load %swap3A_304[%swap3A_305] {strides = array<i32>} : memref<128xi32, #tpu.memory_space<vmem>>, vector<16xi32>,
    tpu.vector_store %swap3A_304[%swap3A_305], %add3A_300 {strides = array<i32>} : memref<128xi32, #tpu.memory_space<vmem>>, vector<16xi32>,
    %get3A_307 = arith.constant 2 : i32
    %get3A_308 = arith.constant 0 : i32
    %get3A_309 = tpu.memref_slice %arg5[%get3A_307, %get3A_308] : memref<4x64xi32, #tpu.memory_space<vmem>> -> memref<1x64xi32, #tpu.memory_space<vmem>>
    %get3A_310 = tpu.memref_squeeze %get3A_309 : memref<1x64xi32, #tpu.memory_space<vmem>> -> memref<64xi32, #tpu.memory_space<vmem>>
    %get3A_311 = arith.constant 48 : index
    %get3A_312 = tpu.vector_load %get3A_310[%get3A_311] {strides = array<i32>} : memref<64xi32, #tpu.memory_space<vmem>>, vector<16xi32>,
    %shift_right_arithmetic3A_313 = arith.constant 7 : i32
    %shift_right_arithmetic3A_314 = vector.broadcast %shift_right_arithmetic3A_313 : i32 to vector<16xi32>
    %shift_right_arithmetic3A_315 = arith.shrsi %get3A_312, %shift_right_arithmetic3A_314 : vector<16xi32>
    %shift_left3A_316 = arith.constant 10 : i32
    %shift_left3A_317 = vector.broadcast %shift_left3A_316 : i32 to vector<16xi32>
    %shift_left3A_318 = arith.shli %shift_right_arithmetic3A_315, %shift_left3A_317 : vector<16xi32>
    %add3A_319 = vector.broadcast %add3A_234 : i32 to vector<16xi32>
    %add3A_320 = arith.addi %add3A_319, %shift_left3A_318 : vector<16xi32>
    %and3A_321 = arith.constant 127 : i32
    %and3A_322 = vector.broadcast %and3A_321 : i32 to vector<16xi32>
    %and3A_323 = arith.andi %get3A_312, %and3A_322 : vector<16xi32>
    %add3A_324 = arith.addi %add3A_320, %and3A_323 : vector<16xi32>
    %swap3A_325 = arith.constant 1 : i32
    %swap3A_326 = arith.constant 0 : i32
    %swap3A_327 = tpu.memref_slice %arg6[%swap3A_325, %swap3A_326] : memref<2x128xi32, #tpu.memory_space<vmem>> -> memref<1x128xi32, #tpu.memory_space<vmem>>
    %swap3A_328 = tpu.memref_squeeze %swap3A_327 : memref<1x128xi32, #tpu.memory_space<vmem>> -> memref<128xi32, #tpu.memory_space<vmem>>
    %swap3A_329 = arith.constant 48 : index
    %swap3A_330 = tpu.vector_load %swap3A_328[%swap3A_329] {strides = array<i32>} : memref<128xi32, #tpu.memory_space<vmem>>, vector<16xi32>,
    tpu.vector_store %swap3A_328[%swap3A_329], %add3A_324 {strides = array<i32>} : memref<128xi32, #tpu.memory_space<vmem>>, vector<16xi32>,
    %add3A_331 = arith.constant 3 : i32
    %add3A_332 = arith.addi %mul3A_2, %add3A_331 : i32
    %shift_right_arithmetic3A_333 = arith.constant 3 : i32
    %shift_right_arithmetic3A_334 = arith.shrsi %add3A_332, %shift_right_arithmetic3A_333 : i32
    %mul3A_335 = arith.constant 262144 : i32
    %mul3A_336 = arith.muli %shift_right_arithmetic3A_334, %mul3A_335 : i32
    %and3A_337 = arith.constant 7 : i32
    %and3A_338 = arith.andi %add3A_332, %and3A_337 : i32
    %mul3A_339 = arith.constant 128 : i32
    %mul3A_340 = arith.muli %and3A_338, %mul3A_339 : i32
    %add3A_341 = arith.addi %mul3A_336, %mul3A_340 : i32
    %get3A_342 = arith.constant 3 : i32
    %get3A_343 = arith.constant 0 : i32
    %get3A_344 = tpu.memref_slice %arg5[%get3A_342, %get3A_343] : memref<4x64xi32, #tpu.memory_space<vmem>> -> memref<1x64xi32, #tpu.memory_space<vmem>>
    %get3A_345 = tpu.memref_squeeze %get3A_344 : memref<1x64xi32, #tpu.memory_space<vmem>> -> memref<64xi32, #tpu.memory_space<vmem>>
    %get3A_346 = arith.constant 0 : index
    %get3A_347 = tpu.vector_load %get3A_345[%get3A_346] {strides = array<i32>} : memref<64xi32, #tpu.memory_space<vmem>>, vector<16xi32>,
    %shift_right_arithmetic3A_348 = arith.constant 7 : i32
    %shift_right_arithmetic3A_349 = vector.broadcast %shift_right_arithmetic3A_348 : i32 to vector<16xi32>
    %shift_right_arithmetic3A_350 = arith.shrsi %get3A_347, %shift_right_arithmetic3A_349 : vector<16xi32>
    %shift_left3A_351 = arith.constant 10 : i32
    %shift_left3A_352 = vector.broadcast %shift_left3A_351 : i32 to vector<16xi32>
    %shift_left3A_353 = arith.shli %shift_right_arithmetic3A_350, %shift_left3A_352 : vector<16xi32>
    %add3A_354 = vector.broadcast %add3A_341 : i32 to vector<16xi32>
    %add3A_355 = arith.addi %add3A_354, %shift_left3A_353 : vector<16xi32>
    %and3A_356 = arith.constant 127 : i32
    %and3A_357 = vector.broadcast %and3A_356 : i32 to vector<16xi32>
    %and3A_358 = arith.andi %get3A_347, %and3A_357 : vector<16xi32>
    %add3A_359 = arith.addi %add3A_355, %and3A_358 : vector<16xi32>
    %swap3A_360 = arith.constant 1 : i32
    %swap3A_361 = arith.constant 0 : i32
    %swap3A_362 = tpu.memref_slice %arg6[%swap3A_360, %swap3A_361] : memref<2x128xi32, #tpu.memory_space<vmem>> -> memref<1x128xi32, #tpu.memory_space<vmem>>
    %swap3A_363 = tpu.memref_squeeze %swap3A_362 : memref<1x128xi32, #tpu.memory_space<vmem>> -> memref<128xi32, #tpu.memory_space<vmem>>
    %swap3A_364 = arith.constant 64 : index
    %swap3A_365 = tpu.vector_load %swap3A_363[%swap3A_364] {strides = array<i32>} : memref<128xi32, #tpu.memory_space<vmem>>, vector<16xi32>,
    tpu.vector_store %swap3A_363[%swap3A_364], %add3A_359 {strides = array<i32>} : memref<128xi32, #tpu.memory_space<vmem>>, vector<16xi32>,
    %get3A_366 = arith.constant 3 : i32
    %get3A_367 = arith.constant 0 : i32
    %get3A_368 = tpu.memref_slice %arg5[%get3A_366, %get3A_367] : memref<4x64xi32, #tpu.memory_space<vmem>> -> memref<1x64xi32, #tpu.memory_space<vmem>>
    %get3A_369 = tpu.memref_squeeze %get3A_368 : memref<1x64xi32, #tpu.memory_space<vmem>> -> memref<64xi32, #tpu.memory_space<vmem>>
    %get3A_370 = arith.constant 16 : index
    %get3A_371 = tpu.vector_load %get3A_369[%get3A_370] {strides = array<i32>} : memref<64xi32, #tpu.memory_space<vmem>>, vector<16xi32>,
    %shift_right_arithmetic3A_372 = arith.constant 7 : i32
    %shift_right_arithmetic3A_373 = vector.broadcast %shift_right_arithmetic3A_372 : i32 to vector<16xi32>
    %shift_right_arithmetic3A_374 = arith.shrsi %get3A_371, %shift_right_arithmetic3A_373 : vector<16xi32>
    %shift_left3A_375 = arith.constant 10 : i32
    %shift_left3A_376 = vector.broadcast %shift_left3A_375 : i32 to vector<16xi32>
    %shift_left3A_377 = arith.shli %shift_right_arithmetic3A_374, %shift_left3A_376 : vector<16xi32>
    %add3A_378 = vector.broadcast %add3A_341 : i32 to vector<16xi32>
    %add3A_379 = arith.addi %add3A_378, %shift_left3A_377 : vector<16xi32>
    %and3A_380 = arith.constant 127 : i32
    %and3A_381 = vector.broadcast %and3A_380 : i32 to vector<16xi32>
    %and3A_382 = arith.andi %get3A_371, %and3A_381 : vector<16xi32>
    %add3A_383 = arith.addi %add3A_379, %and3A_382 : vector<16xi32>
    %swap3A_384 = arith.constant 1 : i32
    %swap3A_385 = arith.constant 0 : i32
    %swap3A_386 = tpu.memref_slice %arg6[%swap3A_384, %swap3A_385] : memref<2x128xi32, #tpu.memory_space<vmem>> -> memref<1x128xi32, #tpu.memory_space<vmem>>
    %swap3A_387 = tpu.memref_squeeze %swap3A_386 : memref<1x128xi32, #tpu.memory_space<vmem>> -> memref<128xi32, #tpu.memory_space<vmem>>
    %swap3A_388 = arith.constant 80 : index
    %swap3A_389 = tpu.vector_load %swap3A_387[%swap3A_388] {strides = array<i32>} : memref<128xi32, #tpu.memory_space<vmem>>, vector<16xi32>,
    tpu.vector_store %swap3A_387[%swap3A_388], %add3A_383 {strides = array<i32>} : memref<128xi32, #tpu.memory_space<vmem>>, vector<16xi32>,
    %get3A_390 = arith.constant 3 : i32
    %get3A_391 = arith.constant 0 : i32
    %get3A_392 = tpu.memref_slice %arg5[%get3A_390, %get3A_391] : memref<4x64xi32, #tpu.memory_space<vmem>> -> memref<1x64xi32, #tpu.memory_space<vmem>>
    %get3A_393 = tpu.memref_squeeze %get3A_392 : memref<1x64xi32, #tpu.memory_space<vmem>> -> memref<64xi32, #tpu.memory_space<vmem>>
    %get3A_394 = arith.constant 32 : index
    %get3A_395 = tpu.vector_load %get3A_393[%get3A_394] {strides = array<i32>} : memref<64xi32, #tpu.memory_space<vmem>>, vector<16xi32>,
    %shift_right_arithmetic3A_396 = arith.constant 7 : i32
    %shift_right_arithmetic3A_397 = vector.broadcast %shift_right_arithmetic3A_396 : i32 to vector<16xi32>
    %shift_right_arithmetic3A_398 = arith.shrsi %get3A_395, %shift_right_arithmetic3A_397 : vector<16xi32>
    %shift_left3A_399 = arith.constant 10 : i32
    %shift_left3A_400 = vector.broadcast %shift_left3A_399 : i32 to vector<16xi32>
    %shift_left3A_401 = arith.shli %shift_right_arithmetic3A_398, %shift_left3A_400 : vector<16xi32>
    %add3A_402 = vector.broadcast %add3A_341 : i32 to vector<16xi32>
    %add3A_403 = arith.addi %add3A_402, %shift_left3A_401 : vector<16xi32>
    %and3A_404 = arith.constant 127 : i32
    %and3A_405 = vector.broadcast %and3A_404 : i32 to vector<16xi32>
    %and3A_406 = arith.andi %get3A_395, %and3A_405 : vector<16xi32>
    %add3A_407 = arith.addi %add3A_403, %and3A_406 : vector<16xi32>
    %swap3A_408 = arith.constant 1 : i32
    %swap3A_409 = arith.constant 0 : i32
    %swap3A_410 = tpu.memref_slice %arg6[%swap3A_408, %swap3A_409] : memref<2x128xi32, #tpu.memory_space<vmem>> -> memref<1x128xi32, #tpu.memory_space<vmem>>
    %swap3A_411 = tpu.memref_squeeze %swap3A_410 : memref<1x128xi32, #tpu.memory_space<vmem>> -> memref<128xi32, #tpu.memory_space<vmem>>
    %swap3A_412 = arith.constant 96 : index
    %swap3A_413 = tpu.vector_load %swap3A_411[%swap3A_412] {strides = array<i32>} : memref<128xi32, #tpu.memory_space<vmem>>, vector<16xi32>,
    tpu.vector_store %swap3A_411[%swap3A_412], %add3A_407 {strides = array<i32>} : memref<128xi32, #tpu.memory_space<vmem>>, vector<16xi32>,
    %get3A_414 = arith.constant 3 : i32
    %get3A_415 = arith.constant 0 : i32
    %get3A_416 = tpu.memref_slice %arg5[%get3A_414, %get3A_415] : memref<4x64xi32, #tpu.memory_space<vmem>> -> memref<1x64xi32, #tpu.memory_space<vmem>>
    %get3A_417 = tpu.memref_squeeze %get3A_416 : memref<1x64xi32, #tpu.memory_space<vmem>> -> memref<64xi32, #tpu.memory_space<vmem>>
    %get3A_418 = arith.constant 48 : index
    %get3A_419 = tpu.vector_load %get3A_417[%get3A_418] {strides = array<i32>} : memref<64xi32, #tpu.memory_space<vmem>>, vector<16xi32>,
    %shift_right_arithmetic3A_420 = arith.constant 7 : i32
    %shift_right_arithmetic3A_421 = vector.broadcast %shift_right_arithmetic3A_420 : i32 to vector<16xi32>
    %shift_right_arithmetic3A_422 = arith.shrsi %get3A_419, %shift_right_arithmetic3A_421 : vector<16xi32>
    %shift_left3A_423 = arith.constant 10 : i32
    %shift_left3A_424 = vector.broadcast %shift_left3A_423 : i32 to vector<16xi32>
    %shift_left3A_425 = arith.shli %shift_right_arithmetic3A_422, %shift_left3A_424 : vector<16xi32>
    %add3A_426 = vector.broadcast %add3A_341 : i32 to vector<16xi32>
    %add3A_427 = arith.addi %add3A_426, %shift_left3A_425 : vector<16xi32>
    %and3A_428 = arith.constant 127 : i32
    %and3A_429 = vector.broadcast %and3A_428 : i32 to vector<16xi32>
    %and3A_430 = arith.andi %get3A_419, %and3A_429 : vector<16xi32>
    %add3A_431 = arith.addi %add3A_427, %and3A_430 : vector<16xi32>
    %swap3A_432 = arith.constant 1 : i32
    %swap3A_433 = arith.constant 0 : i32
    %swap3A_434 = tpu.memref_slice %arg6[%swap3A_432, %swap3A_433] : memref<2x128xi32, #tpu.memory_space<vmem>> -> memref<1x128xi32, #tpu.memory_space<vmem>>
    %swap3A_435 = tpu.memref_squeeze %swap3A_434 : memref<1x128xi32, #tpu.memory_space<vmem>> -> memref<128xi32, #tpu.memory_space<vmem>>
    %swap3A_436 = arith.constant 112 : index
    %swap3A_437 = tpu.vector_load %swap3A_435[%swap3A_436] {strides = array<i32>} : memref<128xi32, #tpu.memory_space<vmem>>, vector<16xi32>,
    tpu.vector_store %swap3A_435[%swap3A_436], %add3A_431 {strides = array<i32>} : memref<128xi32, #tpu.memory_space<vmem>>, vector<16xi32>,
    %dma_start3A_438 = arith.constant 0 : i32
    %dma_start3A_439 = arith.constant 0 : i32
    %dma_start3A_440 = arith.constant 0 : i32
    %dma_start3A_441 = tpu.memref_slice %arg7[%dma_start3A_439, %dma_start3A_440] : memref<2x128xf32, #tpu.memory_space<vmem>> -> memref<1x128xf32, #tpu.memory_space<vmem>>
    %dma_start3A_442 = tpu.memref_squeeze %dma_start3A_441 : memref<1x128xf32, #tpu.memory_space<vmem>> -> memref<128xf32, #tpu.memory_space<vmem>>
    %dma_start3A_443 = arith.constant 0 : i32
    %dma_start3A_444 = tpu.memref_slice %arg6[%dma_start3A_438, %dma_start3A_443] : memref<2x128xi32, #tpu.memory_space<vmem>> -> memref<1x128xi32, #tpu.memory_space<vmem>>
    %dma_start3A_445 = tpu.memref_squeeze %dma_start3A_444 : memref<1x128xi32, #tpu.memory_space<vmem>> -> memref<128xi32, #tpu.memory_space<vmem>>
    %dma_start3A_446 = arith.constant 0 : i32
    %dma_start3A_447 = tpu.memref_slice %arg2[%dma_start3A_446] : memref<4194304xf32, #tpu.memory_space<hbm>> -> memref<4194304xf32, #tpu.memory_space<hbm>>
    tpu.enqueue_indirect_dma source(%dma_start3A_447 : memref<4194304xf32, #tpu.memory_space<hbm>>) target(%dma_start3A_442 : memref<128xf32, #tpu.memory_space<vmem>>) offsets(%dma_start3A_445 : memref<128xi32, #tpu.memory_space<vmem>>) semaphore(%arg10 : memref<!tpu.dma_semaphore, #tpu.memory_space<semaphore_mem>>)
    %dma_start3A_448 = arith.constant 1 : i32
    %dma_start3A_449 = arith.constant 1 : i32
    %dma_start3A_450 = arith.constant 0 : i32
    %dma_start3A_451 = tpu.memref_slice %arg7[%dma_start3A_449, %dma_start3A_450] : memref<2x128xf32, #tpu.memory_space<vmem>> -> memref<1x128xf32, #tpu.memory_space<vmem>>
    %dma_start3A_452 = tpu.memref_squeeze %dma_start3A_451 : memref<1x128xf32, #tpu.memory_space<vmem>> -> memref<128xf32, #tpu.memory_space<vmem>>
    %dma_start3A_453 = arith.constant 0 : i32
    %dma_start3A_454 = tpu.memref_slice %arg6[%dma_start3A_448, %dma_start3A_453] : memref<2x128xi32, #tpu.memory_space<vmem>> -> memref<1x128xi32, #tpu.memory_space<vmem>>
    %dma_start3A_455 = tpu.memref_squeeze %dma_start3A_454 : memref<1x128xi32, #tpu.memory_space<vmem>> -> memref<128xi32, #tpu.memory_space<vmem>>
    %dma_start3A_456 = arith.constant 0 : i32
    %dma_start3A_457 = tpu.memref_slice %arg2[%dma_start3A_456] : memref<4194304xf32, #tpu.memory_space<hbm>> -> memref<4194304xf32, #tpu.memory_space<hbm>>
    tpu.enqueue_indirect_dma source(%dma_start3A_457 : memref<4194304xf32, #tpu.memory_space<hbm>>) target(%dma_start3A_452 : memref<128xf32, #tpu.memory_space<vmem>>) offsets(%dma_start3A_455 : memref<128xi32, #tpu.memory_space<vmem>>) semaphore(%arg10 : memref<!tpu.dma_semaphore, #tpu.memory_space<semaphore_mem>>)
    %scan3A_458 = arith.constant 0 : i32
    %scan3A_459 = arith.constant 0 : i32
    %scan3A_460 = arith.constant 256 : i32
    %scan3A_461 = arith.addi %scan3A_459, %scan3A_460 : i32
    %scan3A_462 = arith.constant 1 : i32
    scf.for %scan3A_1034 = %scan3A_459 to %scan3A_461 step %scan3A_462  : i32 {
      %mul3A_1035 = arith.constant 128 : i32
      %mul3A_1036 = arith.muli %scan3A_1034, %mul3A_1035 : i32
      %add3A_1037 = arith.constant 0 : i32
      %add3A_1038 = arith.addi %mul3A_1036, %add3A_1037 : i32
      %swap3A_1039 = arith.index_cast %add3A_1038 : i32 to index
      %swap3A_1040 = tpu.vector_load %arg9[%swap3A_1039] {strides = array<i32>} : memref<32768xf32, #tpu.memory_space<vmem>>, vector<16xf32>,
      tpu.vector_store %arg9[%swap3A_1039], %broadcast_in_dim3A_3 {strides = array<i32>} : memref<32768xf32, #tpu.memory_space<vmem>>, vector<16xf32>,
      %add3A_1041 = arith.constant 16 : i32
      %add3A_1042 = arith.addi %mul3A_1036, %add3A_1041 : i32
      %swap3A_1043 = arith.index_cast %add3A_1042 : i32 to index
      %swap3A_1044 = tpu.vector_load %arg9[%swap3A_1043] {strides = array<i32>} : memref<32768xf32, #tpu.memory_space<vmem>>, vector<16xf32>,
      tpu.vector_store %arg9[%swap3A_1043], %broadcast_in_dim3A_3 {strides = array<i32>} : memref<32768xf32, #tpu.memory_space<vmem>>, vector<16xf32>,
      %add3A_1045 = arith.constant 32 : i32
      %add3A_1046 = arith.addi %mul3A_1036, %add3A_1045 : i32
      %swap3A_1047 = arith.index_cast %add3A_1046 : i32 to index
      %swap3A_1048 = tpu.vector_load %arg9[%swap3A_1047] {strides = array<i32>} : memref<32768xf32, #tpu.memory_space<vmem>>, vector<16xf32>,
      tpu.vector_store %arg9[%swap3A_1047], %broadcast_in_dim3A_3 {strides = array<i32>} : memref<32768xf32, #tpu.memory_space<vmem>>, vector<16xf32>,
      %add3A_1049 = arith.constant 48 : i32
      %add3A_1050 = arith.addi %mul3A_1036, %add3A_1049 : i32
      %swap3A_1051 = arith.index_cast %add3A_1050 : i32 to index
      %swap3A_1052 = tpu.vector_load %arg9[%swap3A_1051] {strides = array<i32>} : memref<32768xf32, #tpu.memory_space<vmem>>, vector<16xf32>,
      tpu.vector_store %arg9[%swap3A_1051], %broadcast_in_dim3A_3 {strides = array<i32>} : memref<32768xf32, #tpu.memory_space<vmem>>, vector<16xf32>,
      %add3A_1053 = arith.constant 64 : i32
      %add3A_1054 = arith.addi %mul3A_1036, %add3A_1053 : i32
      %swap3A_1055 = arith.index_cast %add3A_1054 : i32 to index
      %swap3A_1056 = tpu.vector_load %arg9[%swap3A_1055] {strides = array<i32>} : memref<32768xf32, #tpu.memory_space<vmem>>, vector<16xf32>,
      tpu.vector_store %arg9[%swap3A_1055], %broadcast_in_dim3A_3 {strides = array<i32>} : memref<32768xf32, #tpu.memory_space<vmem>>, vector<16xf32>,
      %add3A_1057 = arith.constant 80 : i32
      %add3A_1058 = arith.addi %mul3A_1036, %add3A_1057 : i32
      %swap3A_1059 = arith.index_cast %add3A_1058 : i32 to index
      %swap3A_1060 = tpu.vector_load %arg9[%swap3A_1059] {strides = array<i32>} : memref<32768xf32, #tpu.memory_space<vmem>>, vector<16xf32>,
      tpu.vector_store %arg9[%swap3A_1059], %broadcast_in_dim3A_3 {strides = array<i32>} : memref<32768xf32, #tpu.memory_space<vmem>>, vector<16xf32>,
      %add3A_1061 = arith.constant 96 : i32
      %add3A_1062 = arith.addi %mul3A_1036, %add3A_1061 : i32
      %swap3A_1063 = arith.index_cast %add3A_1062 : i32 to index
      %swap3A_1064 = tpu.vector_load %arg9[%swap3A_1063] {strides = array<i32>} : memref<32768xf32, #tpu.memory_space<vmem>>, vector<16xf32>,
      tpu.vector_store %arg9[%swap3A_1063], %broadcast_in_dim3A_3 {strides = array<i32>} : memref<32768xf32, #tpu.memory_space<vmem>>, vector<16xf32>,
      %add3A_1065 = arith.constant 112 : i32
      %add3A_1066 = arith.addi %mul3A_1036, %add3A_1065 : i32
      %swap3A_1067 = arith.index_cast %add3A_1066 : i32 to index
      %swap3A_1068 = tpu.vector_load %arg9[%swap3A_1067] {strides = array<i32>} : memref<32768xf32, #tpu.memory_space<vmem>>, vector<16xf32>,
      tpu.vector_store %arg9[%swap3A_1067], %broadcast_in_dim3A_3 {strides = array<i32>} : memref<32768xf32, #tpu.memory_space<vmem>>, vector<16xf32>,
    }
    %scan3A_463 = arith.constant 256 : i32
    %dma_wait3A_464 = arith.constant 0 : i32
    %dma_wait3A_465 = arith.constant 0 : i32
    %dma_wait3A_466 = arith.constant 0 : i32
    %dma_wait3A_467 = tpu.memref_slice %arg7[%dma_wait3A_465, %dma_wait3A_466] : memref<2x128xf32, #tpu.memory_space<vmem>> -> memref<1x128xf32, #tpu.memory_space<vmem>>
    %dma_wait3A_468 = tpu.memref_squeeze %dma_wait3A_467 : memref<1x128xf32, #tpu.memory_space<vmem>> -> memref<128xf32, #tpu.memory_space<vmem>>
    %dma_wait3A_469 = arith.constant 0 : i32
    %dma_wait3A_470 = tpu.memref_slice %arg6[%dma_wait3A_464, %dma_wait3A_469] : memref<2x128xi32, #tpu.memory_space<vmem>> -> memref<1x128xi32, #tpu.memory_space<vmem>>
    %dma_wait3A_471 = tpu.memref_squeeze %dma_wait3A_470 : memref<1x128xi32, #tpu.memory_space<vmem>> -> memref<128xi32, #tpu.memory_space<vmem>>
    %dma_wait3A_472 = arith.constant 0 : i32
    %dma_wait3A_473 = tpu.memref_slice %arg2[%dma_wait3A_472] : memref<4194304xf32, #tpu.memory_space<hbm>> -> memref<4194304xf32, #tpu.memory_space<hbm>>
    tpu.wait_indirect_dma semaphore(%arg10 : memref<!tpu.dma_semaphore, #tpu.memory_space<semaphore_mem>>) src(%dma_wait3A_473 : memref<4194304xf32, #tpu.memory_space<hbm>>) dst(%dma_wait3A_468 : memref<128xf32, #tpu.memory_space<vmem>>)
    %dma_wait3A_474 = arith.constant 1 : i32
    %dma_wait3A_475 = arith.constant 1 : i32
    %dma_wait3A_476 = arith.constant 0 : i32
    %dma_wait3A_477 = tpu.memref_slice %arg7[%dma_wait3A_475, %dma_wait3A_476] : memref<2x128xf32, #tpu.memory_space<vmem>> -> memref<1x128xf32, #tpu.memory_space<vmem>>
    %dma_wait3A_478 = tpu.memref_squeeze %dma_wait3A_477 : memref<1x128xf32, #tpu.memory_space<vmem>> -> memref<128xf32, #tpu.memory_space<vmem>>
    %dma_wait3A_479 = arith.constant 0 : i32
    %dma_wait3A_480 = tpu.memref_slice %arg6[%dma_wait3A_474, %dma_wait3A_479] : memref<2x128xi32, #tpu.memory_space<vmem>> -> memref<1x128xi32, #tpu.memory_space<vmem>>
    %dma_wait3A_481 = tpu.memref_squeeze %dma_wait3A_480 : memref<1x128xi32, #tpu.memory_space<vmem>> -> memref<128xi32, #tpu.memory_space<vmem>>
    %dma_wait3A_482 = arith.constant 0 : i32
    %dma_wait3A_483 = tpu.memref_slice %arg2[%dma_wait3A_482] : memref<4194304xf32, #tpu.memory_space<hbm>> -> memref<4194304xf32, #tpu.memory_space<hbm>>
    tpu.wait_indirect_dma semaphore(%arg10 : memref<!tpu.dma_semaphore, #tpu.memory_space<semaphore_mem>>) src(%dma_wait3A_483 : memref<4194304xf32, #tpu.memory_space<hbm>>) dst(%dma_wait3A_478 : memref<128xf32, #tpu.memory_space<vmem>>)
    %get3A_484 = arith.constant 0 : i32
    %get3A_485 = arith.constant 0 : i32
    %get3A_486 = tpu.memref_slice %arg7[%get3A_484, %get3A_485] : memref<2x128xf32, #tpu.memory_space<vmem>> -> memref<1x128xf32, #tpu.memory_space<vmem>>
    %get3A_487 = tpu.memref_squeeze %get3A_486 : memref<1x128xf32, #tpu.memory_space<vmem>> -> memref<128xf32, #tpu.memory_space<vmem>>
    %get3A_488 = arith.constant 0 : index
    %get3A_489 = tpu.vector_load %get3A_487[%get3A_488] {strides = array<i32>} : memref<128xf32, #tpu.memory_space<vmem>>, vector<16xf32>,
    %eq3A = arith.constant 0.000000e+00 : f32
    %eq3A_490 = vector.broadcast %eq3A : f32 to vector<16xf32>
    %eq3A_491 = arith.cmpf oeq, %get3A_489, %eq3A_490 : vector<16xf32>
    %select_n3A = arith.select %eq3A_491, %broadcast_in_dim3A_3, %get3A_489 : vector<16xi1>, vector<16xf32>
    %swap3A_492 = arith.constant 0 : i32
    %swap3A_493 = arith.constant 0 : i32
    %swap3A_494 = tpu.memref_slice %arg7[%swap3A_492, %swap3A_493] : memref<2x128xf32, #tpu.memory_space<vmem>> -> memref<1x128xf32, #tpu.memory_space<vmem>>
    %swap3A_495 = tpu.memref_squeeze %swap3A_494 : memref<1x128xf32, #tpu.memory_space<vmem>> -> memref<128xf32, #tpu.memory_space<vmem>>
    %swap3A_496 = arith.constant 0 : index
    %swap3A_497 = tpu.vector_load %swap3A_495[%swap3A_496] {strides = array<i32>} : memref<128xf32, #tpu.memory_space<vmem>>, vector<16xf32>,
    tpu.vector_store %swap3A_495[%swap3A_496], %select_n3A {strides = array<i32>} : memref<128xf32, #tpu.memory_space<vmem>>, vector<16xf32>,
    %get3A_498 = arith.constant 0 : i32
    %get3A_499 = arith.constant 0 : i32
    %get3A_500 = tpu.memref_slice %arg7[%get3A_498, %get3A_499] : memref<2x128xf32, #tpu.memory_space<vmem>> -> memref<1x128xf32, #tpu.memory_space<vmem>>
    %get3A_501 = tpu.memref_squeeze %get3A_500 : memref<1x128xf32, #tpu.memory_space<vmem>> -> memref<128xf32, #tpu.memory_space<vmem>>
    %get3A_502 = arith.constant 16 : index
    %get3A_503 = tpu.vector_load %get3A_501[%get3A_502] {strides = array<i32>} : memref<128xf32, #tpu.memory_space<vmem>>, vector<16xf32>,
    %eq3A_504 = arith.constant 0.000000e+00 : f32
    %eq3A_505 = vector.broadcast %eq3A_504 : f32 to vector<16xf32>
    %eq3A_506 = arith.cmpf oeq, %get3A_503, %eq3A_505 : vector<16xf32>
    %select_n3A_507 = arith.select %eq3A_506, %broadcast_in_dim3A_3, %get3A_503 : vector<16xi1>, vector<16xf32>
    %swap3A_508 = arith.constant 0 : i32
    %swap3A_509 = arith.constant 0 : i32
    %swap3A_510 = tpu.memref_slice %arg7[%swap3A_508, %swap3A_509] : memref<2x128xf32, #tpu.memory_space<vmem>> -> memref<1x128xf32, #tpu.memory_space<vmem>>
    %swap3A_511 = tpu.memref_squeeze %swap3A_510 : memref<1x128xf32, #tpu.memory_space<vmem>> -> memref<128xf32, #tpu.memory_space<vmem>>
    %swap3A_512 = arith.constant 16 : index
    %swap3A_513 = tpu.vector_load %swap3A_511[%swap3A_512] {strides = array<i32>} : memref<128xf32, #tpu.memory_space<vmem>>, vector<16xf32>,
    tpu.vector_store %swap3A_511[%swap3A_512], %select_n3A_507 {strides = array<i32>} : memref<128xf32, #tpu.memory_space<vmem>>, vector<16xf32>,
    %get3A_514 = arith.constant 0 : i32
    %get3A_515 = arith.constant 0 : i32
    %get3A_516 = tpu.memref_slice %arg7[%get3A_514, %get3A_515] : memref<2x128xf32, #tpu.memory_space<vmem>> -> memref<1x128xf32, #tpu.memory_space<vmem>>
    %get3A_517 = tpu.memref_squeeze %get3A_516 : memref<1x128xf32, #tpu.memory_space<vmem>> -> memref<128xf32, #tpu.memory_space<vmem>>
    %get3A_518 = arith.constant 32 : index
    %get3A_519 = tpu.vector_load %get3A_517[%get3A_518] {strides = array<i32>} : memref<128xf32, #tpu.memory_space<vmem>>, vector<16xf32>,
    %eq3A_520 = arith.constant 0.000000e+00 : f32
    %eq3A_521 = vector.broadcast %eq3A_520 : f32 to vector<16xf32>
    %eq3A_522 = arith.cmpf oeq, %get3A_519, %eq3A_521 : vector<16xf32>
    %select_n3A_523 = arith.select %eq3A_522, %broadcast_in_dim3A_3, %get3A_519 : vector<16xi1>, vector<16xf32>
    %swap3A_524 = arith.constant 0 : i32
    %swap3A_525 = arith.constant 0 : i32
    %swap3A_526 = tpu.memref_slice %arg7[%swap3A_524, %swap3A_525] : memref<2x128xf32, #tpu.memory_space<vmem>> -> memref<1x128xf32, #tpu.memory_space<vmem>>
    %swap3A_527 = tpu.memref_squeeze %swap3A_526 : memref<1x128xf32, #tpu.memory_space<vmem>> -> memref<128xf32, #tpu.memory_space<vmem>>
    %swap3A_528 = arith.constant 32 : index
    %swap3A_529 = tpu.vector_load %swap3A_527[%swap3A_528] {strides = array<i32>} : memref<128xf32, #tpu.memory_space<vmem>>, vector<16xf32>,
    tpu.vector_store %swap3A_527[%swap3A_528], %select_n3A_523 {strides = array<i32>} : memref<128xf32, #tpu.memory_space<vmem>>, vector<16xf32>,
    %get3A_530 = arith.constant 0 : i32
    %get3A_531 = arith.constant 0 : i32
    %get3A_532 = tpu.memref_slice %arg7[%get3A_530, %get3A_531] : memref<2x128xf32, #tpu.memory_space<vmem>> -> memref<1x128xf32, #tpu.memory_space<vmem>>
    %get3A_533 = tpu.memref_squeeze %get3A_532 : memref<1x128xf32, #tpu.memory_space<vmem>> -> memref<128xf32, #tpu.memory_space<vmem>>
    %get3A_534 = arith.constant 48 : index
    %get3A_535 = tpu.vector_load %get3A_533[%get3A_534] {strides = array<i32>} : memref<128xf32, #tpu.memory_space<vmem>>, vector<16xf32>,
    %eq3A_536 = arith.constant 0.000000e+00 : f32
    %eq3A_537 = vector.broadcast %eq3A_536 : f32 to vector<16xf32>
    %eq3A_538 = arith.cmpf oeq, %get3A_535, %eq3A_537 : vector<16xf32>
    %select_n3A_539 = arith.select %eq3A_538, %broadcast_in_dim3A_3, %get3A_535 : vector<16xi1>, vector<16xf32>
    %swap3A_540 = arith.constant 0 : i32
    %swap3A_541 = arith.constant 0 : i32
    %swap3A_542 = tpu.memref_slice %arg7[%swap3A_540, %swap3A_541] : memref<2x128xf32, #tpu.memory_space<vmem>> -> memref<1x128xf32, #tpu.memory_space<vmem>>
    %swap3A_543 = tpu.memref_squeeze %swap3A_542 : memref<1x128xf32, #tpu.memory_space<vmem>> -> memref<128xf32, #tpu.memory_space<vmem>>
    %swap3A_544 = arith.constant 48 : index
    %swap3A_545 = tpu.vector_load %swap3A_543[%swap3A_544] {strides = array<i32>} : memref<128xf32, #tpu.memory_space<vmem>>, vector<16xf32>,
    tpu.vector_store %swap3A_543[%swap3A_544], %select_n3A_539 {strides = array<i32>} : memref<128xf32, #tpu.memory_space<vmem>>, vector<16xf32>,
    %get3A_546 = arith.constant 0 : i32
    %get3A_547 = arith.constant 0 : i32
    %get3A_548 = tpu.memref_slice %arg7[%get3A_546, %get3A_547] : memref<2x128xf32, #tpu.memory_space<vmem>> -> memref<1x128xf32, #tpu.memory_space<vmem>>
    %get3A_549 = tpu.memref_squeeze %get3A_548 : memref<1x128xf32, #tpu.memory_space<vmem>> -> memref<128xf32, #tpu.memory_space<vmem>>
    %get3A_550 = arith.constant 64 : index
    %get3A_551 = tpu.vector_load %get3A_549[%get3A_550] {strides = array<i32>} : memref<128xf32, #tpu.memory_space<vmem>>, vector<16xf32>,
    %eq3A_552 = arith.constant 0.000000e+00 : f32
    %eq3A_553 = vector.broadcast %eq3A_552 : f32 to vector<16xf32>
    %eq3A_554 = arith.cmpf oeq, %get3A_551, %eq3A_553 : vector<16xf32>
    %select_n3A_555 = arith.select %eq3A_554, %broadcast_in_dim3A_3, %get3A_551 : vector<16xi1>, vector<16xf32>
    %swap3A_556 = arith.constant 0 : i32
    %swap3A_557 = arith.constant 0 : i32
    %swap3A_558 = tpu.memref_slice %arg7[%swap3A_556, %swap3A_557] : memref<2x128xf32, #tpu.memory_space<vmem>> -> memref<1x128xf32, #tpu.memory_space<vmem>>
    %swap3A_559 = tpu.memref_squeeze %swap3A_558 : memref<1x128xf32, #tpu.memory_space<vmem>> -> memref<128xf32, #tpu.memory_space<vmem>>
    %swap3A_560 = arith.constant 64 : index
    %swap3A_561 = tpu.vector_load %swap3A_559[%swap3A_560] {strides = array<i32>} : memref<128xf32, #tpu.memory_space<vmem>>, vector<16xf32>,
    tpu.vector_store %swap3A_559[%swap3A_560], %select_n3A_555 {strides = array<i32>} : memref<128xf32, #tpu.memory_space<vmem>>, vector<16xf32>,
    %get3A_562 = arith.constant 0 : i32
    %get3A_563 = arith.constant 0 : i32
    %get3A_564 = tpu.memref_slice %arg7[%get3A_562, %get3A_563] : memref<2x128xf32, #tpu.memory_space<vmem>> -> memref<1x128xf32, #tpu.memory_space<vmem>>
    %get3A_565 = tpu.memref_squeeze %get3A_564 : memref<1x128xf32, #tpu.memory_space<vmem>> -> memref<128xf32, #tpu.memory_space<vmem>>
    %get3A_566 = arith.constant 80 : index
    %get3A_567 = tpu.vector_load %get3A_565[%get3A_566] {strides = array<i32>} : memref<128xf32, #tpu.memory_space<vmem>>, vector<16xf32>,
    %eq3A_568 = arith.constant 0.000000e+00 : f32
    %eq3A_569 = vector.broadcast %eq3A_568 : f32 to vector<16xf32>
    %eq3A_570 = arith.cmpf oeq, %get3A_567, %eq3A_569 : vector<16xf32>
    %select_n3A_571 = arith.select %eq3A_570, %broadcast_in_dim3A_3, %get3A_567 : vector<16xi1>, vector<16xf32>
    %swap3A_572 = arith.constant 0 : i32
    %swap3A_573 = arith.constant 0 : i32
    %swap3A_574 = tpu.memref_slice %arg7[%swap3A_572, %swap3A_573] : memref<2x128xf32, #tpu.memory_space<vmem>> -> memref<1x128xf32, #tpu.memory_space<vmem>>
    %swap3A_575 = tpu.memref_squeeze %swap3A_574 : memref<1x128xf32, #tpu.memory_space<vmem>> -> memref<128xf32, #tpu.memory_space<vmem>>
    %swap3A_576 = arith.constant 80 : index
    %swap3A_577 = tpu.vector_load %swap3A_575[%swap3A_576] {strides = array<i32>} : memref<128xf32, #tpu.memory_space<vmem>>, vector<16xf32>,
    tpu.vector_store %swap3A_575[%swap3A_576], %select_n3A_571 {strides = array<i32>} : memref<128xf32, #tpu.memory_space<vmem>>, vector<16xf32>,
    %get3A_578 = arith.constant 0 : i32
    %get3A_579 = arith.constant 0 : i32
    %get3A_580 = tpu.memref_slice %arg7[%get3A_578, %get3A_579] : memref<2x128xf32, #tpu.memory_space<vmem>> -> memref<1x128xf32, #tpu.memory_space<vmem>>
    %get3A_581 = tpu.memref_squeeze %get3A_580 : memref<1x128xf32, #tpu.memory_space<vmem>> -> memref<128xf32, #tpu.memory_space<vmem>>
    %get3A_582 = arith.constant 96 : index
    %get3A_583 = tpu.vector_load %get3A_581[%get3A_582] {strides = array<i32>} : memref<128xf32, #tpu.memory_space<vmem>>, vector<16xf32>,
    %eq3A_584 = arith.constant 0.000000e+00 : f32
    %eq3A_585 = vector.broadcast %eq3A_584 : f32 to vector<16xf32>
    %eq3A_586 = arith.cmpf oeq, %get3A_583, %eq3A_585 : vector<16xf32>
    %select_n3A_587 = arith.select %eq3A_586, %broadcast_in_dim3A_3, %get3A_583 : vector<16xi1>, vector<16xf32>
    %swap3A_588 = arith.constant 0 : i32
    %swap3A_589 = arith.constant 0 : i32
    %swap3A_590 = tpu.memref_slice %arg7[%swap3A_588, %swap3A_589] : memref<2x128xf32, #tpu.memory_space<vmem>> -> memref<1x128xf32, #tpu.memory_space<vmem>>
    %swap3A_591 = tpu.memref_squeeze %swap3A_590 : memref<1x128xf32, #tpu.memory_space<vmem>> -> memref<128xf32, #tpu.memory_space<vmem>>
    %swap3A_592 = arith.constant 96 : index
    %swap3A_593 = tpu.vector_load %swap3A_591[%swap3A_592] {strides = array<i32>} : memref<128xf32, #tpu.memory_space<vmem>>, vector<16xf32>,
    tpu.vector_store %swap3A_591[%swap3A_592], %select_n3A_587 {strides = array<i32>} : memref<128xf32, #tpu.memory_space<vmem>>, vector<16xf32>,
    %get3A_594 = arith.constant 0 : i32
    %get3A_595 = arith.constant 0 : i32
    %get3A_596 = tpu.memref_slice %arg7[%get3A_594, %get3A_595] : memref<2x128xf32, #tpu.memory_space<vmem>> -> memref<1x128xf32, #tpu.memory_space<vmem>>
    %get3A_597 = tpu.memref_squeeze %get3A_596 : memref<1x128xf32, #tpu.memory_space<vmem>> -> memref<128xf32, #tpu.memory_space<vmem>>
    %get3A_598 = arith.constant 112 : index
    %get3A_599 = tpu.vector_load %get3A_597[%get3A_598] {strides = array<i32>} : memref<128xf32, #tpu.memory_space<vmem>>, vector<16xf32>,
    %eq3A_600 = arith.constant 0.000000e+00 : f32
    %eq3A_601 = vector.broadcast %eq3A_600 : f32 to vector<16xf32>
    %eq3A_602 = arith.cmpf oeq, %get3A_599, %eq3A_601 : vector<16xf32>
    %select_n3A_603 = arith.select %eq3A_602, %broadcast_in_dim3A_3, %get3A_599 : vector<16xi1>, vector<16xf32>
    %swap3A_604 = arith.constant 0 : i32
    %swap3A_605 = arith.constant 0 : i32
    %swap3A_606 = tpu.memref_slice %arg7[%swap3A_604, %swap3A_605] : memref<2x128xf32, #tpu.memory_space<vmem>> -> memref<1x128xf32, #tpu.memory_space<vmem>>
    %swap3A_607 = tpu.memref_squeeze %swap3A_606 : memref<1x128xf32, #tpu.memory_space<vmem>> -> memref<128xf32, #tpu.memory_space<vmem>>
    %swap3A_608 = arith.constant 112 : index
    %swap3A_609 = tpu.vector_load %swap3A_607[%swap3A_608] {strides = array<i32>} : memref<128xf32, #tpu.memory_space<vmem>>, vector<16xf32>,
    tpu.vector_store %swap3A_607[%swap3A_608], %select_n3A_603 {strides = array<i32>} : memref<128xf32, #tpu.memory_space<vmem>>, vector<16xf32>,
    %get3A_610 = arith.constant 1 : i32
    %get3A_611 = arith.constant 0 : i32
    %get3A_612 = tpu.memref_slice %arg7[%get3A_610, %get3A_611] : memref<2x128xf32, #tpu.memory_space<vmem>> -> memref<1x128xf32, #tpu.memory_space<vmem>>
    %get3A_613 = tpu.memref_squeeze %get3A_612 : memref<1x128xf32, #tpu.memory_space<vmem>> -> memref<128xf32, #tpu.memory_space<vmem>>
    %get3A_614 = arith.constant 0 : index
    %get3A_615 = tpu.vector_load %get3A_613[%get3A_614] {strides = array<i32>} : memref<128xf32, #tpu.memory_space<vmem>>, vector<16xf32>,
    %eq3A_616 = arith.constant 0.000000e+00 : f32
    %eq3A_617 = vector.broadcast %eq3A_616 : f32 to vector<16xf32>
    %eq3A_618 = arith.cmpf oeq, %get3A_615, %eq3A_617 : vector<16xf32>
    %select_n3A_619 = arith.select %eq3A_618, %broadcast_in_dim3A_3, %get3A_615 : vector<16xi1>, vector<16xf32>
    %swap3A_620 = arith.constant 1 : i32
    %swap3A_621 = arith.constant 0 : i32
    %swap3A_622 = tpu.memref_slice %arg7[%swap3A_620, %swap3A_621] : memref<2x128xf32, #tpu.memory_space<vmem>> -> memref<1x128xf32, #tpu.memory_space<vmem>>
    %swap3A_623 = tpu.memref_squeeze %swap3A_622 : memref<1x128xf32, #tpu.memory_space<vmem>> -> memref<128xf32, #tpu.memory_space<vmem>>
    %swap3A_624 = arith.constant 0 : index
    %swap3A_625 = tpu.vector_load %swap3A_623[%swap3A_624] {strides = array<i32>} : memref<128xf32, #tpu.memory_space<vmem>>, vector<16xf32>,
    tpu.vector_store %swap3A_623[%swap3A_624], %select_n3A_619 {strides = array<i32>} : memref<128xf32, #tpu.memory_space<vmem>>, vector<16xf32>,
    %get3A_626 = arith.constant 1 : i32
    %get3A_627 = arith.constant 0 : i32
    %get3A_628 = tpu.memref_slice %arg7[%get3A_626, %get3A_627] : memref<2x128xf32, #tpu.memory_space<vmem>> -> memref<1x128xf32, #tpu.memory_space<vmem>>
    %get3A_629 = tpu.memref_squeeze %get3A_628 : memref<1x128xf32, #tpu.memory_space<vmem>> -> memref<128xf32, #tpu.memory_space<vmem>>
    %get3A_630 = arith.constant 16 : index
    %get3A_631 = tpu.vector_load %get3A_629[%get3A_630] {strides = array<i32>} : memref<128xf32, #tpu.memory_space<vmem>>, vector<16xf32>,
    %eq3A_632 = arith.constant 0.000000e+00 : f32
    %eq3A_633 = vector.broadcast %eq3A_632 : f32 to vector<16xf32>
    %eq3A_634 = arith.cmpf oeq, %get3A_631, %eq3A_633 : vector<16xf32>
    %select_n3A_635 = arith.select %eq3A_634, %broadcast_in_dim3A_3, %get3A_631 : vector<16xi1>, vector<16xf32>
    %swap3A_636 = arith.constant 1 : i32
    %swap3A_637 = arith.constant 0 : i32
    %swap3A_638 = tpu.memref_slice %arg7[%swap3A_636, %swap3A_637] : memref<2x128xf32, #tpu.memory_space<vmem>> -> memref<1x128xf32, #tpu.memory_space<vmem>>
    %swap3A_639 = tpu.memref_squeeze %swap3A_638 : memref<1x128xf32, #tpu.memory_space<vmem>> -> memref<128xf32, #tpu.memory_space<vmem>>
    %swap3A_640 = arith.constant 16 : index
    %swap3A_641 = tpu.vector_load %swap3A_639[%swap3A_640] {strides = array<i32>} : memref<128xf32, #tpu.memory_space<vmem>>, vector<16xf32>,
    tpu.vector_store %swap3A_639[%swap3A_640], %select_n3A_635 {strides = array<i32>} : memref<128xf32, #tpu.memory_space<vmem>>, vector<16xf32>,
    %get3A_642 = arith.constant 1 : i32
    %get3A_643 = arith.constant 0 : i32
    %get3A_644 = tpu.memref_slice %arg7[%get3A_642, %get3A_643] : memref<2x128xf32, #tpu.memory_space<vmem>> -> memref<1x128xf32, #tpu.memory_space<vmem>>
    %get3A_645 = tpu.memref_squeeze %get3A_644 : memref<1x128xf32, #tpu.memory_space<vmem>> -> memref<128xf32, #tpu.memory_space<vmem>>
    %get3A_646 = arith.constant 32 : index
    %get3A_647 = tpu.vector_load %get3A_645[%get3A_646] {strides = array<i32>} : memref<128xf32, #tpu.memory_space<vmem>>, vector<16xf32>,
    %eq3A_648 = arith.constant 0.000000e+00 : f32
    %eq3A_649 = vector.broadcast %eq3A_648 : f32 to vector<16xf32>
    %eq3A_650 = arith.cmpf oeq, %get3A_647, %eq3A_649 : vector<16xf32>
    %select_n3A_651 = arith.select %eq3A_650, %broadcast_in_dim3A_3, %get3A_647 : vector<16xi1>, vector<16xf32>
    %swap3A_652 = arith.constant 1 : i32
    %swap3A_653 = arith.constant 0 : i32
    %swap3A_654 = tpu.memref_slice %arg7[%swap3A_652, %swap3A_653] : memref<2x128xf32, #tpu.memory_space<vmem>> -> memref<1x128xf32, #tpu.memory_space<vmem>>
    %swap3A_655 = tpu.memref_squeeze %swap3A_654 : memref<1x128xf32, #tpu.memory_space<vmem>> -> memref<128xf32, #tpu.memory_space<vmem>>
    %swap3A_656 = arith.constant 32 : index
    %swap3A_657 = tpu.vector_load %swap3A_655[%swap3A_656] {strides = array<i32>} : memref<128xf32, #tpu.memory_space<vmem>>, vector<16xf32>,
    tpu.vector_store %swap3A_655[%swap3A_656], %select_n3A_651 {strides = array<i32>} : memref<128xf32, #tpu.memory_space<vmem>>, vector<16xf32>,
    %get3A_658 = arith.constant 1 : i32
    %get3A_659 = arith.constant 0 : i32
    %get3A_660 = tpu.memref_slice %arg7[%get3A_658, %get3A_659] : memref<2x128xf32, #tpu.memory_space<vmem>> -> memref<1x128xf32, #tpu.memory_space<vmem>>
    %get3A_661 = tpu.memref_squeeze %get3A_660 : memref<1x128xf32, #tpu.memory_space<vmem>> -> memref<128xf32, #tpu.memory_space<vmem>>
    %get3A_662 = arith.constant 48 : index
    %get3A_663 = tpu.vector_load %get3A_661[%get3A_662] {strides = array<i32>} : memref<128xf32, #tpu.memory_space<vmem>>, vector<16xf32>,
    %eq3A_664 = arith.constant 0.000000e+00 : f32
    %eq3A_665 = vector.broadcast %eq3A_664 : f32 to vector<16xf32>
    %eq3A_666 = arith.cmpf oeq, %get3A_663, %eq3A_665 : vector<16xf32>
    %select_n3A_667 = arith.select %eq3A_666, %broadcast_in_dim3A_3, %get3A_663 : vector<16xi1>, vector<16xf32>
    %swap3A_668 = arith.constant 1 : i32
    %swap3A_669 = arith.constant 0 : i32
    %swap3A_670 = tpu.memref_slice %arg7[%swap3A_668, %swap3A_669] : memref<2x128xf32, #tpu.memory_space<vmem>> -> memref<1x128xf32, #tpu.memory_space<vmem>>
    %swap3A_671 = tpu.memref_squeeze %swap3A_670 : memref<1x128xf32, #tpu.memory_space<vmem>> -> memref<128xf32, #tpu.memory_space<vmem>>
    %swap3A_672 = arith.constant 48 : index
    %swap3A_673 = tpu.vector_load %swap3A_671[%swap3A_672] {strides = array<i32>} : memref<128xf32, #tpu.memory_space<vmem>>, vector<16xf32>,
    tpu.vector_store %swap3A_671[%swap3A_672], %select_n3A_667 {strides = array<i32>} : memref<128xf32, #tpu.memory_space<vmem>>, vector<16xf32>,
    %get3A_674 = arith.constant 1 : i32
    %get3A_675 = arith.constant 0 : i32
    %get3A_676 = tpu.memref_slice %arg7[%get3A_674, %get3A_675] : memref<2x128xf32, #tpu.memory_space<vmem>> -> memref<1x128xf32, #tpu.memory_space<vmem>>
    %get3A_677 = tpu.memref_squeeze %get3A_676 : memref<1x128xf32, #tpu.memory_space<vmem>> -> memref<128xf32, #tpu.memory_space<vmem>>
    %get3A_678 = arith.constant 64 : index
    %get3A_679 = tpu.vector_load %get3A_677[%get3A_678] {strides = array<i32>} : memref<128xf32, #tpu.memory_space<vmem>>, vector<16xf32>,
    %eq3A_680 = arith.constant 0.000000e+00 : f32
    %eq3A_681 = vector.broadcast %eq3A_680 : f32 to vector<16xf32>
    %eq3A_682 = arith.cmpf oeq, %get3A_679, %eq3A_681 : vector<16xf32>
    %select_n3A_683 = arith.select %eq3A_682, %broadcast_in_dim3A_3, %get3A_679 : vector<16xi1>, vector<16xf32>
    %swap3A_684 = arith.constant 1 : i32
    %swap3A_685 = arith.constant 0 : i32
    %swap3A_686 = tpu.memref_slice %arg7[%swap3A_684, %swap3A_685] : memref<2x128xf32, #tpu.memory_space<vmem>> -> memref<1x128xf32, #tpu.memory_space<vmem>>
    %swap3A_687 = tpu.memref_squeeze %swap3A_686 : memref<1x128xf32, #tpu.memory_space<vmem>> -> memref<128xf32, #tpu.memory_space<vmem>>
    %swap3A_688 = arith.constant 64 : index
    %swap3A_689 = tpu.vector_load %swap3A_687[%swap3A_688] {strides = array<i32>} : memref<128xf32, #tpu.memory_space<vmem>>, vector<16xf32>,
    tpu.vector_store %swap3A_687[%swap3A_688], %select_n3A_683 {strides = array<i32>} : memref<128xf32, #tpu.memory_space<vmem>>, vector<16xf32>,
    %get3A_690 = arith.constant 1 : i32
    %get3A_691 = arith.constant 0 : i32
    %get3A_692 = tpu.memref_slice %arg7[%get3A_690, %get3A_691] : memref<2x128xf32, #tpu.memory_space<vmem>> -> memref<1x128xf32, #tpu.memory_space<vmem>>
    %get3A_693 = tpu.memref_squeeze %get3A_692 : memref<1x128xf32, #tpu.memory_space<vmem>> -> memref<128xf32, #tpu.memory_space<vmem>>
    %get3A_694 = arith.constant 80 : index
    %get3A_695 = tpu.vector_load %get3A_693[%get3A_694] {strides = array<i32>} : memref<128xf32, #tpu.memory_space<vmem>>, vector<16xf32>,
    %eq3A_696 = arith.constant 0.000000e+00 : f32
    %eq3A_697 = vector.broadcast %eq3A_696 : f32 to vector<16xf32>
    %eq3A_698 = arith.cmpf oeq, %get3A_695, %eq3A_697 : vector<16xf32>
    %select_n3A_699 = arith.select %eq3A_698, %broadcast_in_dim3A_3, %get3A_695 : vector<16xi1>, vector<16xf32>
    %swap3A_700 = arith.constant 1 : i32
    %swap3A_701 = arith.constant 0 : i32
    %swap3A_702 = tpu.memref_slice %arg7[%swap3A_700, %swap3A_701] : memref<2x128xf32, #tpu.memory_space<vmem>> -> memref<1x128xf32, #tpu.memory_space<vmem>>
    %swap3A_703 = tpu.memref_squeeze %swap3A_702 : memref<1x128xf32, #tpu.memory_space<vmem>> -> memref<128xf32, #tpu.memory_space<vmem>>
    %swap3A_704 = arith.constant 80 : index
    %swap3A_705 = tpu.vector_load %swap3A_703[%swap3A_704] {strides = array<i32>} : memref<128xf32, #tpu.memory_space<vmem>>, vector<16xf32>,
    tpu.vector_store %swap3A_703[%swap3A_704], %select_n3A_699 {strides = array<i32>} : memref<128xf32, #tpu.memory_space<vmem>>, vector<16xf32>,
    %get3A_706 = arith.constant 1 : i32
    %get3A_707 = arith.constant 0 : i32
    %get3A_708 = tpu.memref_slice %arg7[%get3A_706, %get3A_707] : memref<2x128xf32, #tpu.memory_space<vmem>> -> memref<1x128xf32, #tpu.memory_space<vmem>>
    %get3A_709 = tpu.memref_squeeze %get3A_708 : memref<1x128xf32, #tpu.memory_space<vmem>> -> memref<128xf32, #tpu.memory_space<vmem>>
    %get3A_710 = arith.constant 96 : index
    %get3A_711 = tpu.vector_load %get3A_709[%get3A_710] {strides = array<i32>} : memref<128xf32, #tpu.memory_space<vmem>>, vector<16xf32>,
    %eq3A_712 = arith.constant 0.000000e+00 : f32
    %eq3A_713 = vector.broadcast %eq3A_712 : f32 to vector<16xf32>
    %eq3A_714 = arith.cmpf oeq, %get3A_711, %eq3A_713 : vector<16xf32>
    %select_n3A_715 = arith.select %eq3A_714, %broadcast_in_dim3A_3, %get3A_711 : vector<16xi1>, vector<16xf32>
    %swap3A_716 = arith.constant 1 : i32
    %swap3A_717 = arith.constant 0 : i32
    %swap3A_718 = tpu.memref_slice %arg7[%swap3A_716, %swap3A_717] : memref<2x128xf32, #tpu.memory_space<vmem>> -> memref<1x128xf32, #tpu.memory_space<vmem>>
    %swap3A_719 = tpu.memref_squeeze %swap3A_718 : memref<1x128xf32, #tpu.memory_space<vmem>> -> memref<128xf32, #tpu.memory_space<vmem>>
    %swap3A_720 = arith.constant 96 : index
    %swap3A_721 = tpu.vector_load %swap3A_719[%swap3A_720] {strides = array<i32>} : memref<128xf32, #tpu.memory_space<vmem>>, vector<16xf32>,
    tpu.vector_store %swap3A_719[%swap3A_720], %select_n3A_715 {strides = array<i32>} : memref<128xf32, #tpu.memory_space<vmem>>, vector<16xf32>,
    %get3A_722 = arith.constant 1 : i32
    %get3A_723 = arith.constant 0 : i32
    %get3A_724 = tpu.memref_slice %arg7[%get3A_722, %get3A_723] : memref<2x128xf32, #tpu.memory_space<vmem>> -> memref<1x128xf32, #tpu.memory_space<vmem>>
    %get3A_725 = tpu.memref_squeeze %get3A_724 : memref<1x128xf32, #tpu.memory_space<vmem>> -> memref<128xf32, #tpu.memory_space<vmem>>
    %get3A_726 = arith.constant 112 : index
    %get3A_727 = tpu.vector_load %get3A_725[%get3A_726] {strides = array<i32>} : memref<128xf32, #tpu.memory_space<vmem>>, vector<16xf32>,
    %eq3A_728 = arith.constant 0.000000e+00 : f32
    %eq3A_729 = vector.broadcast %eq3A_728 : f32 to vector<16xf32>
    %eq3A_730 = arith.cmpf oeq, %get3A_727, %eq3A_729 : vector<16xf32>
    %select_n3A_731 = arith.select %eq3A_730, %broadcast_in_dim3A_3, %get3A_727 : vector<16xi1>, vector<16xf32>
    %swap3A_732 = arith.constant 1 : i32
    %swap3A_733 = arith.constant 0 : i32
    %swap3A_734 = tpu.memref_slice %arg7[%swap3A_732, %swap3A_733] : memref<2x128xf32, #tpu.memory_space<vmem>> -> memref<1x128xf32, #tpu.memory_space<vmem>>
    %swap3A_735 = tpu.memref_squeeze %swap3A_734 : memref<1x128xf32, #tpu.memory_space<vmem>> -> memref<128xf32, #tpu.memory_space<vmem>>
    %swap3A_736 = arith.constant 112 : index
    %swap3A_737 = tpu.vector_load %swap3A_735[%swap3A_736] {strides = array<i32>} : memref<128xf32, #tpu.memory_space<vmem>>, vector<16xf32>,
    tpu.vector_store %swap3A_735[%swap3A_736], %select_n3A_731 {strides = array<i32>} : memref<128xf32, #tpu.memory_space<vmem>>, vector<16xf32>,
    %get3A_738 = arith.constant 0 : i32
    %get3A_739 = arith.constant 0 : i32
    %get3A_740 = tpu.memref_slice %arg5[%get3A_738, %get3A_739] : memref<4x64xi32, #tpu.memory_space<vmem>> -> memref<1x64xi32, #tpu.memory_space<vmem>>
    %get3A_741 = tpu.memref_squeeze %get3A_740 : memref<1x64xi32, #tpu.memory_space<vmem>> -> memref<64xi32, #tpu.memory_space<vmem>>
    %get3A_742 = arith.constant 0 : index
    %get3A_743 = tpu.vector_load %get3A_741[%get3A_742] {strides = array<i32>} : memref<64xi32, #tpu.memory_space<vmem>>, vector<16xi32>,
    %get3A_744 = arith.constant 0 : i32
    %get3A_745 = arith.constant 0 : i32
    %get3A_746 = tpu.memref_slice %arg7[%get3A_744, %get3A_745] : memref<2x128xf32, #tpu.memory_space<vmem>> -> memref<1x128xf32, #tpu.memory_space<vmem>>
    %get3A_747 = tpu.memref_squeeze %get3A_746 : memref<1x128xf32, #tpu.memory_space<vmem>> -> memref<128xf32, #tpu.memory_space<vmem>>
    %get3A_748 = arith.constant 0 : index
    %get3A_749 = tpu.vector_load %get3A_747[%get3A_748] {strides = array<i32>} : memref<128xf32, #tpu.memory_space<vmem>>, vector<16xf32>,
    tpu.vector_store_idx %arg8[%get3A_743], %get3A_749 : memref<32768xf32, #tpu.memory_space<vmem>>[vector<16xi32>], vector<16xf32>,
    %get3A_750 = arith.constant 0 : i32
    %get3A_751 = arith.constant 0 : i32
    %get3A_752 = tpu.memref_slice %arg5[%get3A_750, %get3A_751] : memref<4x64xi32, #tpu.memory_space<vmem>> -> memref<1x64xi32, #tpu.memory_space<vmem>>
    %get3A_753 = tpu.memref_squeeze %get3A_752 : memref<1x64xi32, #tpu.memory_space<vmem>> -> memref<64xi32, #tpu.memory_space<vmem>>
    %get3A_754 = arith.constant 16 : index
    %get3A_755 = tpu.vector_load %get3A_753[%get3A_754] {strides = array<i32>} : memref<64xi32, #tpu.memory_space<vmem>>, vector<16xi32>,
    %get3A_756 = arith.constant 0 : i32
    %get3A_757 = arith.constant 0 : i32
    %get3A_758 = tpu.memref_slice %arg7[%get3A_756, %get3A_757] : memref<2x128xf32, #tpu.memory_space<vmem>> -> memref<1x128xf32, #tpu.memory_space<vmem>>
    %get3A_759 = tpu.memref_squeeze %get3A_758 : memref<1x128xf32, #tpu.memory_space<vmem>> -> memref<128xf32, #tpu.memory_space<vmem>>
    %get3A_760 = arith.constant 16 : index
    %get3A_761 = tpu.vector_load %get3A_759[%get3A_760] {strides = array<i32>} : memref<128xf32, #tpu.memory_space<vmem>>, vector<16xf32>,
    tpu.vector_store_idx %arg8[%get3A_755], %get3A_761 : memref<32768xf32, #tpu.memory_space<vmem>>[vector<16xi32>], vector<16xf32>,
    %get3A_762 = arith.constant 0 : i32
    %get3A_763 = arith.constant 0 : i32
    %get3A_764 = tpu.memref_slice %arg5[%get3A_762, %get3A_763] : memref<4x64xi32, #tpu.memory_space<vmem>> -> memref<1x64xi32, #tpu.memory_space<vmem>>
    %get3A_765 = tpu.memref_squeeze %get3A_764 : memref<1x64xi32, #tpu.memory_space<vmem>> -> memref<64xi32, #tpu.memory_space<vmem>>
    %get3A_766 = arith.constant 32 : index
    %get3A_767 = tpu.vector_load %get3A_765[%get3A_766] {strides = array<i32>} : memref<64xi32, #tpu.memory_space<vmem>>, vector<16xi32>,
    %get3A_768 = arith.constant 0 : i32
    %get3A_769 = arith.constant 0 : i32
    %get3A_770 = tpu.memref_slice %arg7[%get3A_768, %get3A_769] : memref<2x128xf32, #tpu.memory_space<vmem>> -> memref<1x128xf32, #tpu.memory_space<vmem>>
    %get3A_771 = tpu.memref_squeeze %get3A_770 : memref<1x128xf32, #tpu.memory_space<vmem>> -> memref<128xf32, #tpu.memory_space<vmem>>
    %get3A_772 = arith.constant 32 : index
    %get3A_773 = tpu.vector_load %get3A_771[%get3A_772] {strides = array<i32>} : memref<128xf32, #tpu.memory_space<vmem>>, vector<16xf32>,
    tpu.vector_store_idx %arg8[%get3A_767], %get3A_773 : memref<32768xf32, #tpu.memory_space<vmem>>[vector<16xi32>], vector<16xf32>,
    %get3A_774 = arith.constant 0 : i32
    %get3A_775 = arith.constant 0 : i32
    %get3A_776 = tpu.memref_slice %arg5[%get3A_774, %get3A_775] : memref<4x64xi32, #tpu.memory_space<vmem>> -> memref<1x64xi32, #tpu.memory_space<vmem>>
    %get3A_777 = tpu.memref_squeeze %get3A_776 : memref<1x64xi32, #tpu.memory_space<vmem>> -> memref<64xi32, #tpu.memory_space<vmem>>
    %get3A_778 = arith.constant 48 : index
    %get3A_779 = tpu.vector_load %get3A_777[%get3A_778] {strides = array<i32>} : memref<64xi32, #tpu.memory_space<vmem>>, vector<16xi32>,
    %get3A_780 = arith.constant 0 : i32
    %get3A_781 = arith.constant 0 : i32
    %get3A_782 = tpu.memref_slice %arg7[%get3A_780, %get3A_781] : memref<2x128xf32, #tpu.memory_space<vmem>> -> memref<1x128xf32, #tpu.memory_space<vmem>>
    %get3A_783 = tpu.memref_squeeze %get3A_782 : memref<1x128xf32, #tpu.memory_space<vmem>> -> memref<128xf32, #tpu.memory_space<vmem>>
    %get3A_784 = arith.constant 48 : index
    %get3A_785 = tpu.vector_load %get3A_783[%get3A_784] {strides = array<i32>} : memref<128xf32, #tpu.memory_space<vmem>>, vector<16xf32>,
    tpu.vector_store_idx %arg8[%get3A_779], %get3A_785 : memref<32768xf32, #tpu.memory_space<vmem>>[vector<16xi32>], vector<16xf32>,
    %add3A_786 = arith.constant 0 : i32
    %add3A_787 = arith.addi %mul3A_2, %add3A_786 : i32
    %dma_start3A_788 = arith.constant 0 : i32
    %dma_start3A_789 = tpu.memref_slice %arg4[%add3A_787, %dma_start3A_788] : memref<128x32768xf32, #tpu.memory_space<hbm>> -> memref<1x32768xf32, #tpu.memory_space<hbm>>
    %dma_start3A_790 = tpu.memref_squeeze %dma_start3A_789 : memref<1x32768xf32, #tpu.memory_space<hbm>> -> memref<32768xf32, #tpu.memory_space<hbm>>
    %dma_start3A_791 = arith.constant 0 : i32
    %dma_start3A_792 = tpu.memref_slice %arg4[%add3A_787, %dma_start3A_791] : memref<128x32768xf32, #tpu.memory_space<hbm>> -> memref<1x32768xf32, #tpu.memory_space<hbm>>
    %dma_start3A_793 = tpu.memref_squeeze %dma_start3A_792 : memref<1x32768xf32, #tpu.memory_space<hbm>> -> memref<32768xf32, #tpu.memory_space<hbm>>
    tpu.enqueue_dma source(%arg8 : memref<32768xf32, #tpu.memory_space<vmem>>) target(%dma_start3A_793 : memref<32768xf32, #tpu.memory_space<hbm>>) target_semaphore(%arg11 : memref<!tpu.dma_semaphore, #tpu.memory_space<semaphore_mem>>)
    %get3A_794 = arith.constant 1 : i32
    %get3A_795 = arith.constant 0 : i32
    %get3A_796 = tpu.memref_slice %arg5[%get3A_794, %get3A_795] : memref<4x64xi32, #tpu.memory_space<vmem>> -> memref<1x64xi32, #tpu.memory_space<vmem>>
    %get3A_797 = tpu.memref_squeeze %get3A_796 : memref<1x64xi32, #tpu.memory_space<vmem>> -> memref<64xi32, #tpu.memory_space<vmem>>
    %get3A_798 = arith.constant 0 : index
    %get3A_799 = tpu.vector_load %get3A_797[%get3A_798] {strides = array<i32>} : memref<64xi32, #tpu.memory_space<vmem>>, vector<16xi32>,
    %get3A_800 = arith.constant 0 : i32
    %get3A_801 = arith.constant 0 : i32
    %get3A_802 = tpu.memref_slice %arg7[%get3A_800, %get3A_801] : memref<2x128xf32, #tpu.memory_space<vmem>> -> memref<1x128xf32, #tpu.memory_space<vmem>>
    %get3A_803 = tpu.memref_squeeze %get3A_802 : memref<1x128xf32, #tpu.memory_space<vmem>> -> memref<128xf32, #tpu.memory_space<vmem>>
    %get3A_804 = arith.constant 64 : index
    %get3A_805 = tpu.vector_load %get3A_803[%get3A_804] {strides = array<i32>} : memref<128xf32, #tpu.memory_space<vmem>>, vector<16xf32>,
    tpu.vector_store_idx %arg9[%get3A_799], %get3A_805 : memref<32768xf32, #tpu.memory_space<vmem>>[vector<16xi32>], vector<16xf32>,
    %get3A_806 = arith.constant 1 : i32
    %get3A_807 = arith.constant 0 : i32
    %get3A_808 = tpu.memref_slice %arg5[%get3A_806, %get3A_807] : memref<4x64xi32, #tpu.memory_space<vmem>> -> memref<1x64xi32, #tpu.memory_space<vmem>>
    %get3A_809 = tpu.memref_squeeze %get3A_808 : memref<1x64xi32, #tpu.memory_space<vmem>> -> memref<64xi32, #tpu.memory_space<vmem>>
    %get3A_810 = arith.constant 16 : index
    %get3A_811 = tpu.vector_load %get3A_809[%get3A_810] {strides = array<i32>} : memref<64xi32, #tpu.memory_space<vmem>>, vector<16xi32>,
    %get3A_812 = arith.constant 0 : i32
    %get3A_813 = arith.constant 0 : i32
    %get3A_814 = tpu.memref_slice %arg7[%get3A_812, %get3A_813] : memref<2x128xf32, #tpu.memory_space<vmem>> -> memref<1x128xf32, #tpu.memory_space<vmem>>
    %get3A_815 = tpu.memref_squeeze %get3A_814 : memref<1x128xf32, #tpu.memory_space<vmem>> -> memref<128xf32, #tpu.memory_space<vmem>>
    %get3A_816 = arith.constant 80 : index
    %get3A_817 = tpu.vector_load %get3A_815[%get3A_816] {strides = array<i32>} : memref<128xf32, #tpu.memory_space<vmem>>, vector<16xf32>,
    tpu.vector_store_idx %arg9[%get3A_811], %get3A_817 : memref<32768xf32, #tpu.memory_space<vmem>>[vector<16xi32>], vector<16xf32>,
    %get3A_818 = arith.constant 1 : i32
    %get3A_819 = arith.constant 0 : i32
    %get3A_820 = tpu.memref_slice %arg5[%get3A_818, %get3A_819] : memref<4x64xi32, #tpu.memory_space<vmem>> -> memref<1x64xi32, #tpu.memory_space<vmem>>
    %get3A_821 = tpu.memref_squeeze %get3A_820 : memref<1x64xi32, #tpu.memory_space<vmem>> -> memref<64xi32, #tpu.memory_space<vmem>>
    %get3A_822 = arith.constant 32 : index
    %get3A_823 = tpu.vector_load %get3A_821[%get3A_822] {strides = array<i32>} : memref<64xi32, #tpu.memory_space<vmem>>, vector<16xi32>,
    %get3A_824 = arith.constant 0 : i32
    %get3A_825 = arith.constant 0 : i32
    %get3A_826 = tpu.memref_slice %arg7[%get3A_824, %get3A_825] : memref<2x128xf32, #tpu.memory_space<vmem>> -> memref<1x128xf32, #tpu.memory_space<vmem>>
    %get3A_827 = tpu.memref_squeeze %get3A_826 : memref<1x128xf32, #tpu.memory_space<vmem>> -> memref<128xf32, #tpu.memory_space<vmem>>
    %get3A_828 = arith.constant 96 : index
    %get3A_829 = tpu.vector_load %get3A_827[%get3A_828] {strides = array<i32>} : memref<128xf32, #tpu.memory_space<vmem>>, vector<16xf32>,
    tpu.vector_store_idx %arg9[%get3A_823], %get3A_829 : memref<32768xf32, #tpu.memory_space<vmem>>[vector<16xi32>], vector<16xf32>,
    %get3A_830 = arith.constant 1 : i32
    %get3A_831 = arith.constant 0 : i32
    %get3A_832 = tpu.memref_slice %arg5[%get3A_830, %get3A_831] : memref<4x64xi32, #tpu.memory_space<vmem>> -> memref<1x64xi32, #tpu.memory_space<vmem>>
    %get3A_833 = tpu.memref_squeeze %get3A_832 : memref<1x64xi32, #tpu.memory_space<vmem>> -> memref<64xi32, #tpu.memory_space<vmem>>
    %get3A_834 = arith.constant 48 : index
    %get3A_835 = tpu.vector_load %get3A_833[%get3A_834] {strides = array<i32>} : memref<64xi32, #tpu.memory_space<vmem>>, vector<16xi32>,
    %get3A_836 = arith.constant 0 : i32
    %get3A_837 = arith.constant 0 : i32
    %get3A_838 = tpu.memref_slice %arg7[%get3A_836, %get3A_837] : memref<2x128xf32, #tpu.memory_space<vmem>> -> memref<1x128xf32, #tpu.memory_space<vmem>>
    %get3A_839 = tpu.memref_squeeze %get3A_838 : memref<1x128xf32, #tpu.memory_space<vmem>> -> memref<128xf32, #tpu.memory_space<vmem>>
    %get3A_840 = arith.constant 112 : index
    %get3A_841 = tpu.vector_load %get3A_839[%get3A_840] {strides = array<i32>} : memref<128xf32, #tpu.memory_space<vmem>>, vector<16xf32>,
    tpu.vector_store_idx %arg9[%get3A_835], %get3A_841 : memref<32768xf32, #tpu.memory_space<vmem>>[vector<16xi32>], vector<16xf32>,
    %add3A_842 = arith.constant 1 : i32
    %add3A_843 = arith.addi %mul3A_2, %add3A_842 : i32
    %dma_start3A_844 = arith.constant 0 : i32
    %dma_start3A_845 = tpu.memref_slice %arg4[%add3A_843, %dma_start3A_844] : memref<128x32768xf32, #tpu.memory_space<hbm>> -> memref<1x32768xf32, #tpu.memory_space<hbm>>
    %dma_start3A_846 = tpu.memref_squeeze %dma_start3A_845 : memref<1x32768xf32, #tpu.memory_space<hbm>> -> memref<32768xf32, #tpu.memory_space<hbm>>
    %dma_start3A_847 = arith.constant 0 : i32
    %dma_start3A_848 = tpu.memref_slice %arg4[%add3A_843, %dma_start3A_847] : memref<128x32768xf32, #tpu.memory_space<hbm>> -> memref<1x32768xf32, #tpu.memory_space<hbm>>
    %dma_start3A_849 = tpu.memref_squeeze %dma_start3A_848 : memref<1x32768xf32, #tpu.memory_space<hbm>> -> memref<32768xf32, #tpu.memory_space<hbm>>
    tpu.enqueue_dma source(%arg9 : memref<32768xf32, #tpu.memory_space<vmem>>) target(%dma_start3A_849 : memref<32768xf32, #tpu.memory_space<hbm>>) target_semaphore(%arg12 : memref<!tpu.dma_semaphore, #tpu.memory_space<semaphore_mem>>)
    %dma_wait3A_850 = arith.constant 0 : i32
    %dma_wait3A_851 = tpu.memref_slice %arg4[%add3A_787, %dma_wait3A_850] : memref<128x32768xf32, #tpu.memory_space<hbm>> -> memref<1x32768xf32, #tpu.memory_space<hbm>>
    %dma_wait3A_852 = tpu.memref_squeeze %dma_wait3A_851 : memref<1x32768xf32, #tpu.memory_space<hbm>> -> memref<32768xf32, #tpu.memory_space<hbm>>
    %dma_wait3A_853 = arith.constant 0 : i32
    %dma_wait3A_854 = tpu.memref_slice %arg4[%add3A_787, %dma_wait3A_853] : memref<128x32768xf32, #tpu.memory_space<hbm>> -> memref<1x32768xf32, #tpu.memory_space<hbm>>
    %dma_wait3A_855 = tpu.memref_squeeze %dma_wait3A_854 : memref<1x32768xf32, #tpu.memory_space<hbm>> -> memref<32768xf32, #tpu.memory_space<hbm>>
    tpu.wait_dma2 semaphore(%arg11 : memref<!tpu.dma_semaphore, #tpu.memory_space<semaphore_mem>>) src(%arg8 : memref<32768xf32, #tpu.memory_space<vmem>>) dst(%dma_wait3A_855 : memref<32768xf32, #tpu.memory_space<hbm>>)
    %get3A_856 = arith.constant 0 : i32
    %get3A_857 = arith.constant 0 : i32
    %get3A_858 = tpu.memref_slice %arg5[%get3A_856, %get3A_857] : memref<4x64xi32, #tpu.memory_space<vmem>> -> memref<1x64xi32, #tpu.memory_space<vmem>>
    %get3A_859 = tpu.memref_squeeze %get3A_858 : memref<1x64xi32, #tpu.memory_space<vmem>> -> memref<64xi32, #tpu.memory_space<vmem>>
    %get3A_860 = arith.constant 0 : index
    %get3A_861 = tpu.vector_load %get3A_859[%get3A_860] {strides = array<i32>} : memref<64xi32, #tpu.memory_space<vmem>>, vector<16xi32>,
    tpu.vector_store_idx %arg8[%get3A_861], %broadcast_in_dim3A_3 : memref<32768xf32, #tpu.memory_space<vmem>>[vector<16xi32>], vector<16xf32>,
    %get3A_862 = arith.constant 0 : i32
    %get3A_863 = arith.constant 0 : i32
    %get3A_864 = tpu.memref_slice %arg5[%get3A_862, %get3A_863] : memref<4x64xi32, #tpu.memory_space<vmem>> -> memref<1x64xi32, #tpu.memory_space<vmem>>
    %get3A_865 = tpu.memref_squeeze %get3A_864 : memref<1x64xi32, #tpu.memory_space<vmem>> -> memref<64xi32, #tpu.memory_space<vmem>>
    %get3A_866 = arith.constant 16 : index
    %get3A_867 = tpu.vector_load %get3A_865[%get3A_866] {strides = array<i32>} : memref<64xi32, #tpu.memory_space<vmem>>, vector<16xi32>,
    tpu.vector_store_idx %arg8[%get3A_867], %broadcast_in_dim3A_3 : memref<32768xf32, #tpu.memory_space<vmem>>[vector<16xi32>], vector<16xf32>,
    %get3A_868 = arith.constant 0 : i32
    %get3A_869 = arith.constant 0 : i32
    %get3A_870 = tpu.memref_slice %arg5[%get3A_868, %get3A_869] : memref<4x64xi32, #tpu.memory_space<vmem>> -> memref<1x64xi32, #tpu.memory_space<vmem>>
    %get3A_871 = tpu.memref_squeeze %get3A_870 : memref<1x64xi32, #tpu.memory_space<vmem>> -> memref<64xi32, #tpu.memory_space<vmem>>
    %get3A_872 = arith.constant 32 : index
    %get3A_873 = tpu.vector_load %get3A_871[%get3A_872] {strides = array<i32>} : memref<64xi32, #tpu.memory_space<vmem>>, vector<16xi32>,
    tpu.vector_store_idx %arg8[%get3A_873], %broadcast_in_dim3A_3 : memref<32768xf32, #tpu.memory_space<vmem>>[vector<16xi32>], vector<16xf32>,
    %get3A_874 = arith.constant 0 : i32
    %get3A_875 = arith.constant 0 : i32
    %get3A_876 = tpu.memref_slice %arg5[%get3A_874, %get3A_875] : memref<4x64xi32, #tpu.memory_space<vmem>> -> memref<1x64xi32, #tpu.memory_space<vmem>>
    %get3A_877 = tpu.memref_squeeze %get3A_876 : memref<1x64xi32, #tpu.memory_space<vmem>> -> memref<64xi32, #tpu.memory_space<vmem>>
    %get3A_878 = arith.constant 48 : index
    %get3A_879 = tpu.vector_load %get3A_877[%get3A_878] {strides = array<i32>} : memref<64xi32, #tpu.memory_space<vmem>>, vector<16xi32>,
    tpu.vector_store_idx %arg8[%get3A_879], %broadcast_in_dim3A_3 : memref<32768xf32, #tpu.memory_space<vmem>>[vector<16xi32>], vector<16xf32>,
    %get3A_880 = arith.constant 2 : i32
    %get3A_881 = arith.constant 0 : i32
    %get3A_882 = tpu.memref_slice %arg5[%get3A_880, %get3A_881] : memref<4x64xi32, #tpu.memory_space<vmem>> -> memref<1x64xi32, #tpu.memory_space<vmem>>
    %get3A_883 = tpu.memref_squeeze %get3A_882 : memref<1x64xi32, #tpu.memory_space<vmem>> -> memref<64xi32, #tpu.memory_space<vmem>>
    %get3A_884 = arith.constant 0 : index
    %get3A_885 = tpu.vector_load %get3A_883[%get3A_884] {strides = array<i32>} : memref<64xi32, #tpu.memory_space<vmem>>, vector<16xi32>,
    %get3A_886 = arith.constant 1 : i32
    %get3A_887 = arith.constant 0 : i32
    %get3A_888 = tpu.memref_slice %arg7[%get3A_886, %get3A_887] : memref<2x128xf32, #tpu.memory_space<vmem>> -> memref<1x128xf32, #tpu.memory_space<vmem>>
    %get3A_889 = tpu.memref_squeeze %get3A_888 : memref<1x128xf32, #tpu.memory_space<vmem>> -> memref<128xf32, #tpu.memory_space<vmem>>
    %get3A_890 = arith.constant 0 : index
    %get3A_891 = tpu.vector_load %get3A_889[%get3A_890] {strides = array<i32>} : memref<128xf32, #tpu.memory_space<vmem>>, vector<16xf32>,
    tpu.vector_store_idx %arg8[%get3A_885], %get3A_891 : memref<32768xf32, #tpu.memory_space<vmem>>[vector<16xi32>], vector<16xf32>,
    %get3A_892 = arith.constant 2 : i32
    %get3A_893 = arith.constant 0 : i32
    %get3A_894 = tpu.memref_slice %arg5[%get3A_892, %get3A_893] : memref<4x64xi32, #tpu.memory_space<vmem>> -> memref<1x64xi32, #tpu.memory_space<vmem>>
    %get3A_895 = tpu.memref_squeeze %get3A_894 : memref<1x64xi32, #tpu.memory_space<vmem>> -> memref<64xi32, #tpu.memory_space<vmem>>
    %get3A_896 = arith.constant 16 : index
    %get3A_897 = tpu.vector_load %get3A_895[%get3A_896] {strides = array<i32>} : memref<64xi32, #tpu.memory_space<vmem>>, vector<16xi32>,
    %get3A_898 = arith.constant 1 : i32
    %get3A_899 = arith.constant 0 : i32
    %get3A_900 = tpu.memref_slice %arg7[%get3A_898, %get3A_899] : memref<2x128xf32, #tpu.memory_space<vmem>> -> memref<1x128xf32, #tpu.memory_space<vmem>>
    %get3A_901 = tpu.memref_squeeze %get3A_900 : memref<1x128xf32, #tpu.memory_space<vmem>> -> memref<128xf32, #tpu.memory_space<vmem>>
    %get3A_902 = arith.constant 16 : index
    %get3A_903 = tpu.vector_load %get3A_901[%get3A_902] {strides = array<i32>} : memref<128xf32, #tpu.memory_space<vmem>>, vector<16xf32>,
    tpu.vector_store_idx %arg8[%get3A_897], %get3A_903 : memref<32768xf32, #tpu.memory_space<vmem>>[vector<16xi32>], vector<16xf32>,
    %get3A_904 = arith.constant 2 : i32
    %get3A_905 = arith.constant 0 : i32
    %get3A_906 = tpu.memref_slice %arg5[%get3A_904, %get3A_905] : memref<4x64xi32, #tpu.memory_space<vmem>> -> memref<1x64xi32, #tpu.memory_space<vmem>>
    %get3A_907 = tpu.memref_squeeze %get3A_906 : memref<1x64xi32, #tpu.memory_space<vmem>> -> memref<64xi32, #tpu.memory_space<vmem>>
    %get3A_908 = arith.constant 32 : index
    %get3A_909 = tpu.vector_load %get3A_907[%get3A_908] {strides = array<i32>} : memref<64xi32, #tpu.memory_space<vmem>>, vector<16xi32>,
    %get3A_910 = arith.constant 1 : i32
    %get3A_911 = arith.constant 0 : i32
    %get3A_912 = tpu.memref_slice %arg7[%get3A_910, %get3A_911] : memref<2x128xf32, #tpu.memory_space<vmem>> -> memref<1x128xf32, #tpu.memory_space<vmem>>
    %get3A_913 = tpu.memref_squeeze %get3A_912 : memref<1x128xf32, #tpu.memory_space<vmem>> -> memref<128xf32, #tpu.memory_space<vmem>>
    %get3A_914 = arith.constant 32 : index
    %get3A_915 = tpu.vector_load %get3A_913[%get3A_914] {strides = array<i32>} : memref<128xf32, #tpu.memory_space<vmem>>, vector<16xf32>,
    tpu.vector_store_idx %arg8[%get3A_909], %get3A_915 : memref<32768xf32, #tpu.memory_space<vmem>>[vector<16xi32>], vector<16xf32>,
    %get3A_916 = arith.constant 2 : i32
    %get3A_917 = arith.constant 0 : i32
    %get3A_918 = tpu.memref_slice %arg5[%get3A_916, %get3A_917] : memref<4x64xi32, #tpu.memory_space<vmem>> -> memref<1x64xi32, #tpu.memory_space<vmem>>
    %get3A_919 = tpu.memref_squeeze %get3A_918 : memref<1x64xi32, #tpu.memory_space<vmem>> -> memref<64xi32, #tpu.memory_space<vmem>>
    %get3A_920 = arith.constant 48 : index
    %get3A_921 = tpu.vector_load %get3A_919[%get3A_920] {strides = array<i32>} : memref<64xi32, #tpu.memory_space<vmem>>, vector<16xi32>,
    %get3A_922 = arith.constant 1 : i32
    %get3A_923 = arith.constant 0 : i32
    %get3A_924 = tpu.memref_slice %arg7[%get3A_922, %get3A_923] : memref<2x128xf32, #tpu.memory_space<vmem>> -> memref<1x128xf32, #tpu.memory_space<vmem>>
    %get3A_925 = tpu.memref_squeeze %get3A_924 : memref<1x128xf32, #tpu.memory_space<vmem>> -> memref<128xf32, #tpu.memory_space<vmem>>
    %get3A_926 = arith.constant 48 : index
    %get3A_927 = tpu.vector_load %get3A_925[%get3A_926] {strides = array<i32>} : memref<128xf32, #tpu.memory_space<vmem>>, vector<16xf32>,
    tpu.vector_store_idx %arg8[%get3A_921], %get3A_927 : memref<32768xf32, #tpu.memory_space<vmem>>[vector<16xi32>], vector<16xf32>,
    %add3A_928 = arith.constant 2 : i32
    %add3A_929 = arith.addi %mul3A_2, %add3A_928 : i32
    %dma_start3A_930 = arith.constant 0 : i32
    %dma_start3A_931 = tpu.memref_slice %arg4[%add3A_929, %dma_start3A_930] : memref<128x32768xf32, #tpu.memory_space<hbm>> -> memref<1x32768xf32, #tpu.memory_space<hbm>>
    %dma_start3A_932 = tpu.memref_squeeze %dma_start3A_931 : memref<1x32768xf32, #tpu.memory_space<hbm>> -> memref<32768xf32, #tpu.memory_space<hbm>>
    %dma_start3A_933 = arith.constant 0 : i32
    %dma_start3A_934 = tpu.memref_slice %arg4[%add3A_929, %dma_start3A_933] : memref<128x32768xf32, #tpu.memory_space<hbm>> -> memref<1x32768xf32, #tpu.memory_space<hbm>>
    %dma_start3A_935 = tpu.memref_squeeze %dma_start3A_934 : memref<1x32768xf32, #tpu.memory_space<hbm>> -> memref<32768xf32, #tpu.memory_space<hbm>>
    tpu.enqueue_dma source(%arg8 : memref<32768xf32, #tpu.memory_space<vmem>>) target(%dma_start3A_935 : memref<32768xf32, #tpu.memory_space<hbm>>) target_semaphore(%arg11 : memref<!tpu.dma_semaphore, #tpu.memory_space<semaphore_mem>>)
    %dma_wait3A_936 = arith.constant 0 : i32
    %dma_wait3A_937 = tpu.memref_slice %arg4[%add3A_843, %dma_wait3A_936] : memref<128x32768xf32, #tpu.memory_space<hbm>> -> memref<1x32768xf32, #tpu.memory_space<hbm>>
    %dma_wait3A_938 = tpu.memref_squeeze %dma_wait3A_937 : memref<1x32768xf32, #tpu.memory_space<hbm>> -> memref<32768xf32, #tpu.memory_space<hbm>>
    %dma_wait3A_939 = arith.constant 0 : i32
    %dma_wait3A_940 = tpu.memref_slice %arg4[%add3A_843, %dma_wait3A_939] : memref<128x32768xf32, #tpu.memory_space<hbm>> -> memref<1x32768xf32, #tpu.memory_space<hbm>>
    %dma_wait3A_941 = tpu.memref_squeeze %dma_wait3A_940 : memref<1x32768xf32, #tpu.memory_space<hbm>> -> memref<32768xf32, #tpu.memory_space<hbm>>
    tpu.wait_dma2 semaphore(%arg12 : memref<!tpu.dma_semaphore, #tpu.memory_space<semaphore_mem>>) src(%arg9 : memref<32768xf32, #tpu.memory_space<vmem>>) dst(%dma_wait3A_941 : memref<32768xf32, #tpu.memory_space<hbm>>)
    %get3A_942 = arith.constant 1 : i32
    %get3A_943 = arith.constant 0 : i32
    %get3A_944 = tpu.memref_slice %arg5[%get3A_942, %get3A_943] : memref<4x64xi32, #tpu.memory_space<vmem>> -> memref<1x64xi32, #tpu.memory_space<vmem>>
    %get3A_945 = tpu.memref_squeeze %get3A_944 : memref<1x64xi32, #tpu.memory_space<vmem>> -> memref<64xi32, #tpu.memory_space<vmem>>
    %get3A_946 = arith.constant 0 : index
    %get3A_947 = tpu.vector_load %get3A_945[%get3A_946] {strides = array<i32>} : memref<64xi32, #tpu.memory_space<vmem>>, vector<16xi32>,
    tpu.vector_store_idx %arg9[%get3A_947], %broadcast_in_dim3A_3 : memref<32768xf32, #tpu.memory_space<vmem>>[vector<16xi32>], vector<16xf32>,
    %get3A_948 = arith.constant 1 : i32
    %get3A_949 = arith.constant 0 : i32
    %get3A_950 = tpu.memref_slice %arg5[%get3A_948, %get3A_949] : memref<4x64xi32, #tpu.memory_space<vmem>> -> memref<1x64xi32, #tpu.memory_space<vmem>>
    %get3A_951 = tpu.memref_squeeze %get3A_950 : memref<1x64xi32, #tpu.memory_space<vmem>> -> memref<64xi32, #tpu.memory_space<vmem>>
    %get3A_952 = arith.constant 16 : index
    %get3A_953 = tpu.vector_load %get3A_951[%get3A_952] {strides = array<i32>} : memref<64xi32, #tpu.memory_space<vmem>>, vector<16xi32>,
    tpu.vector_store_idx %arg9[%get3A_953], %broadcast_in_dim3A_3 : memref<32768xf32, #tpu.memory_space<vmem>>[vector<16xi32>], vector<16xf32>,
    %get3A_954 = arith.constant 1 : i32
    %get3A_955 = arith.constant 0 : i32
    %get3A_956 = tpu.memref_slice %arg5[%get3A_954, %get3A_955] : memref<4x64xi32, #tpu.memory_space<vmem>> -> memref<1x64xi32, #tpu.memory_space<vmem>>
    %get3A_957 = tpu.memref_squeeze %get3A_956 : memref<1x64xi32, #tpu.memory_space<vmem>> -> memref<64xi32, #tpu.memory_space<vmem>>
    %get3A_958 = arith.constant 32 : index
    %get3A_959 = tpu.vector_load %get3A_957[%get3A_958] {strides = array<i32>} : memref<64xi32, #tpu.memory_space<vmem>>, vector<16xi32>,
    tpu.vector_store_idx %arg9[%get3A_959], %broadcast_in_dim3A_3 : memref<32768xf32, #tpu.memory_space<vmem>>[vector<16xi32>], vector<16xf32>,
    %get3A_960 = arith.constant 1 : i32
    %get3A_961 = arith.constant 0 : i32
    %get3A_962 = tpu.memref_slice %arg5[%get3A_960, %get3A_961] : memref<4x64xi32, #tpu.memory_space<vmem>> -> memref<1x64xi32, #tpu.memory_space<vmem>>
    %get3A_963 = tpu.memref_squeeze %get3A_962 : memref<1x64xi32, #tpu.memory_space<vmem>> -> memref<64xi32, #tpu.memory_space<vmem>>
    %get3A_964 = arith.constant 48 : index
    %get3A_965 = tpu.vector_load %get3A_963[%get3A_964] {strides = array<i32>} : memref<64xi32, #tpu.memory_space<vmem>>, vector<16xi32>,
    tpu.vector_store_idx %arg9[%get3A_965], %broadcast_in_dim3A_3 : memref<32768xf32, #tpu.memory_space<vmem>>[vector<16xi32>], vector<16xf32>,
    %get3A_966 = arith.constant 3 : i32
    %get3A_967 = arith.constant 0 : i32
    %get3A_968 = tpu.memref_slice %arg5[%get3A_966, %get3A_967] : memref<4x64xi32, #tpu.memory_space<vmem>> -> memref<1x64xi32, #tpu.memory_space<vmem>>
    %get3A_969 = tpu.memref_squeeze %get3A_968 : memref<1x64xi32, #tpu.memory_space<vmem>> -> memref<64xi32, #tpu.memory_space<vmem>>
    %get3A_970 = arith.constant 0 : index
    %get3A_971 = tpu.vector_load %get3A_969[%get3A_970] {strides = array<i32>} : memref<64xi32, #tpu.memory_space<vmem>>, vector<16xi32>,
    %get3A_972 = arith.constant 1 : i32
    %get3A_973 = arith.constant 0 : i32
    %get3A_974 = tpu.memref_slice %arg7[%get3A_972, %get3A_973] : memref<2x128xf32, #tpu.memory_space<vmem>> -> memref<1x128xf32, #tpu.memory_space<vmem>>
    %get3A_975 = tpu.memref_squeeze %get3A_974 : memref<1x128xf32, #tpu.memory_space<vmem>> -> memref<128xf32, #tpu.memory_space<vmem>>
    %get3A_976 = arith.constant 64 : index
    %get3A_977 = tpu.vector_load %get3A_975[%get3A_976] {strides = array<i32>} : memref<128xf32, #tpu.memory_space<vmem>>, vector<16xf32>,
    tpu.vector_store_idx %arg9[%get3A_971], %get3A_977 : memref<32768xf32, #tpu.memory_space<vmem>>[vector<16xi32>], vector<16xf32>,
    %get3A_978 = arith.constant 3 : i32
    %get3A_979 = arith.constant 0 : i32
    %get3A_980 = tpu.memref_slice %arg5[%get3A_978, %get3A_979] : memref<4x64xi32, #tpu.memory_space<vmem>> -> memref<1x64xi32, #tpu.memory_space<vmem>>
    %get3A_981 = tpu.memref_squeeze %get3A_980 : memref<1x64xi32, #tpu.memory_space<vmem>> -> memref<64xi32, #tpu.memory_space<vmem>>
    %get3A_982 = arith.constant 16 : index
    %get3A_983 = tpu.vector_load %get3A_981[%get3A_982] {strides = array<i32>} : memref<64xi32, #tpu.memory_space<vmem>>, vector<16xi32>,
    %get3A_984 = arith.constant 1 : i32
    %get3A_985 = arith.constant 0 : i32
    %get3A_986 = tpu.memref_slice %arg7[%get3A_984, %get3A_985] : memref<2x128xf32, #tpu.memory_space<vmem>> -> memref<1x128xf32, #tpu.memory_space<vmem>>
    %get3A_987 = tpu.memref_squeeze %get3A_986 : memref<1x128xf32, #tpu.memory_space<vmem>> -> memref<128xf32, #tpu.memory_space<vmem>>
    %get3A_988 = arith.constant 80 : index
    %get3A_989 = tpu.vector_load %get3A_987[%get3A_988] {strides = array<i32>} : memref<128xf32, #tpu.memory_space<vmem>>, vector<16xf32>,
    tpu.vector_store_idx %arg9[%get3A_983], %get3A_989 : memref<32768xf32, #tpu.memory_space<vmem>>[vector<16xi32>], vector<16xf32>,
    %get3A_990 = arith.constant 3 : i32
    %get3A_991 = arith.constant 0 : i32
    %get3A_992 = tpu.memref_slice %arg5[%get3A_990, %get3A_991] : memref<4x64xi32, #tpu.memory_space<vmem>> -> memref<1x64xi32, #tpu.memory_space<vmem>>
    %get3A_993 = tpu.memref_squeeze %get3A_992 : memref<1x64xi32, #tpu.memory_space<vmem>> -> memref<64xi32, #tpu.memory_space<vmem>>
    %get3A_994 = arith.constant 32 : index
    %get3A_995 = tpu.vector_load %get3A_993[%get3A_994] {strides = array<i32>} : memref<64xi32, #tpu.memory_space<vmem>>, vector<16xi32>,
    %get3A_996 = arith.constant 1 : i32
    %get3A_997 = arith.constant 0 : i32
    %get3A_998 = tpu.memref_slice %arg7[%get3A_996, %get3A_997] : memref<2x128xf32, #tpu.memory_space<vmem>> -> memref<1x128xf32, #tpu.memory_space<vmem>>
    %get3A_999 = tpu.memref_squeeze %get3A_998 : memref<1x128xf32, #tpu.memory_space<vmem>> -> memref<128xf32, #tpu.memory_space<vmem>>
    %get3A_1000 = arith.constant 96 : index
    %get3A_1001 = tpu.vector_load %get3A_999[%get3A_1000] {strides = array<i32>} : memref<128xf32, #tpu.memory_space<vmem>>, vector<16xf32>,
    tpu.vector_store_idx %arg9[%get3A_995], %get3A_1001 : memref<32768xf32, #tpu.memory_space<vmem>>[vector<16xi32>], vector<16xf32>,
    %get3A_1002 = arith.constant 3 : i32
    %get3A_1003 = arith.constant 0 : i32
    %get3A_1004 = tpu.memref_slice %arg5[%get3A_1002, %get3A_1003] : memref<4x64xi32, #tpu.memory_space<vmem>> -> memref<1x64xi32, #tpu.memory_space<vmem>>
    %get3A_1005 = tpu.memref_squeeze %get3A_1004 : memref<1x64xi32, #tpu.memory_space<vmem>> -> memref<64xi32, #tpu.memory_space<vmem>>
    %get3A_1006 = arith.constant 48 : index
    %get3A_1007 = tpu.vector_load %get3A_1005[%get3A_1006] {strides = array<i32>} : memref<64xi32, #tpu.memory_space<vmem>>, vector<16xi32>,
    %get3A_1008 = arith.constant 1 : i32
    %get3A_1009 = arith.constant 0 : i32
    %get3A_1010 = tpu.memref_slice %arg7[%get3A_1008, %get3A_1009] : memref<2x128xf32, #tpu.memory_space<vmem>> -> memref<1x128xf32, #tpu.memory_space<vmem>>
    %get3A_1011 = tpu.memref_squeeze %get3A_1010 : memref<1x128xf32, #tpu.memory_space<vmem>> -> memref<128xf32, #tpu.memory_space<vmem>>
    %get3A_1012 = arith.constant 112 : index
    %get3A_1013 = tpu.vector_load %get3A_1011[%get3A_1012] {strides = array<i32>} : memref<128xf32, #tpu.memory_space<vmem>>, vector<16xf32>,
    tpu.vector_store_idx %arg9[%get3A_1007], %get3A_1013 : memref<32768xf32, #tpu.memory_space<vmem>>[vector<16xi32>], vector<16xf32>,
    %add3A_1014 = arith.constant 3 : i32
    %add3A_1015 = arith.addi %mul3A_2, %add3A_1014 : i32
    %dma_start3A_1016 = arith.constant 0 : i32
    %dma_start3A_1017 = tpu.memref_slice %arg4[%add3A_1015, %dma_start3A_1016] : memref<128x32768xf32, #tpu.memory_space<hbm>> -> memref<1x32768xf32, #tpu.memory_space<hbm>>
    %dma_start3A_1018 = tpu.memref_squeeze %dma_start3A_1017 : memref<1x32768xf32, #tpu.memory_space<hbm>> -> memref<32768xf32, #tpu.memory_space<hbm>>
    %dma_start3A_1019 = arith.constant 0 : i32
    %dma_start3A_1020 = tpu.memref_slice %arg4[%add3A_1015, %dma_start3A_1019] : memref<128x32768xf32, #tpu.memory_space<hbm>> -> memref<1x32768xf32, #tpu.memory_space<hbm>>
    %dma_start3A_1021 = tpu.memref_squeeze %dma_start3A_1020 : memref<1x32768xf32, #tpu.memory_space<hbm>> -> memref<32768xf32, #tpu.memory_space<hbm>>
    tpu.enqueue_dma source(%arg9 : memref<32768xf32, #tpu.memory_space<vmem>>) target(%dma_start3A_1021 : memref<32768xf32, #tpu.memory_space<hbm>>) target_semaphore(%arg12 : memref<!tpu.dma_semaphore, #tpu.memory_space<semaphore_mem>>)
    %dma_wait3A_1022 = arith.constant 0 : i32
    %dma_wait3A_1023 = tpu.memref_slice %arg4[%add3A_929, %dma_wait3A_1022] : memref<128x32768xf32, #tpu.memory_space<hbm>> -> memref<1x32768xf32, #tpu.memory_space<hbm>>
    %dma_wait3A_1024 = tpu.memref_squeeze %dma_wait3A_1023 : memref<1x32768xf32, #tpu.memory_space<hbm>> -> memref<32768xf32, #tpu.memory_space<hbm>>
    %dma_wait3A_1025 = arith.constant 0 : i32
    %dma_wait3A_1026 = tpu.memref_slice %arg4[%add3A_929, %dma_wait3A_1025] : memref<128x32768xf32, #tpu.memory_space<hbm>> -> memref<1x32768xf32, #tpu.memory_space<hbm>>
    %dma_wait3A_1027 = tpu.memref_squeeze %dma_wait3A_1026 : memref<1x32768xf32, #tpu.memory_space<hbm>> -> memref<32768xf32, #tpu.memory_space<hbm>>
    tpu.wait_dma2 semaphore(%arg11 : memref<!tpu.dma_semaphore, #tpu.memory_space<semaphore_mem>>) src(%arg8 : memref<32768xf32, #tpu.memory_space<vmem>>) dst(%dma_wait3A_1027 : memref<32768xf32, #tpu.memory_space<hbm>>)
    %dma_wait3A_1028 = arith.constant 0 : i32
    %dma_wait3A_1029 = tpu.memref_slice %arg4[%add3A_1015, %dma_wait3A_1028] : memref<128x32768xf32, #tpu.memory_space<hbm>> -> memref<1x32768xf32, #tpu.memory_space<hbm>>
    %dma_wait3A_1030 = tpu.memref_squeeze %dma_wait3A_1029 : memref<1x32768xf32, #tpu.memory_space<hbm>> -> memref<32768xf32, #tpu.memory_space<hbm>>
    %dma_wait3A_1031 = arith.constant 0 : i32
    %dma_wait3A_1032 = tpu.memref_slice %arg4[%add3A_1015, %dma_wait3A_1031] : memref<128x32768xf32, #tpu.memory_space<hbm>> -> memref<1x32768xf32, #tpu.memory_space<hbm>>
    %dma_wait3A_1033 = tpu.memref_squeeze %dma_wait3A_1032 : memref<1x32768xf32, #tpu.memory_space<hbm>> -> memref<32768xf32, #tpu.memory_space<hbm>>
    tpu.wait_dma2 semaphore(%arg12 : memref<!tpu.dma_semaphore, #tpu.memory_space<semaphore_mem>>) src(%arg9 : memref<32768xf32, #tpu.memory_space<vmem>>) dst(%dma_wait3A_1033 : memref<32768xf32, #tpu.memory_space<hbm>>)
    return
  }
}

</mosaic_0001>

<sc_bundles>
// kernel: kernel.3.cloned.1.call-start
scs
__scs_entry_jumppad:
0x0: {  	(pc) =	sbr.rel $0x88, $3  }
0x1: {  	(tag) =	ssettag $0x0;
	lr =	simm.s32 $0x1  }
0x2: {  	[smem:$0x3F9F] =	sst lr;
	_ =	strace $0xD0000000  }
0x3: {  	_ = 	snop  }
0x4: {  	_ = 	snop  }
0x5: {  	_ = 	snop  }
0x6: {  	_ = 	snop  }
0x7: {  	_ = 	snop  }
__scs_overlays_trampoline_lowered:
0x8: {  	[smem:$0x3FAE] =	sst s0  }
0x9: {  	[smem:$0x3FAF] =	sst s1  }
0xa: {  	[smem:$0x3FB0] =	sst s2  }
0xb: {  	[smem:$0x3FB1] =	sst s3  }
0xc: {  	[smem:$0x3FB2] =	sst s4  }
0xd: {  	[smem:$0x3FB3] =	sst s5  }
0xe: {  	[smem:$0x3FB4] =	sst s6  }
0xf: {  	[smem:$0x3FB5] =	sst s7  }
0x10: {  	[smem:$0x3FB6] =	sst s8  }
0x11: {  	[smem:$0x3FB7] =	sst s9;
	s0 =	simm.s32 @!p0 $0x0  }
0x12: {  	s1 =	sld [smem:$0x3F9D];
	s0 =	simm.s32 @p0 $0x1  }
0x13: {  	[smem:$0x3FB8] =	sst s0;
	s0 =	simm.s32 @!p1 $0x0  }
0x14: {  	s2 =	sld [smem:$0x3F9C];
	s0 =	simm.s32 @p1 $0x1  }
0x15: {  	[smem:$0x3FB9] =	sst s0;
	s0 =	simm.s32 @!p2 $0x0  }
0x16: {  	s3 =	sld [smem:$0x3FDB];
	s0 =	simm.s32 @p2 $0x1  }
0x17: {  	s4 =	simm.s32 $0x1BF5;
	[smem:$0x3FBB] =	sst s0  }
0x18: {  	s0 =	sld [smem:$0x3F9E];
	_ =	swait.ge [sflag:s4], $0x0  }
0x19: {  	s7 =	sld [smem:$0x3F9F]  }
0x1a: {  	s8 =	sadd.s32 $0xFFFFE003, lr  }
0x1b: {  	s9 =	sadd.s32 $0xFFFFFEF7, lr;
	s5 =	simm.s32 $0xFFFFFFFF;
	p2 =	slt.u32 s8, $0xFFFFF086  }
0x1c: {  	p1 =	slt.u32 s9, $0xF7A;
	s5 =	simm.s32 @!p2 $0x0  }
0x1d: {  	s5 =	simm.s32 @p1 $0x1;
	p0 =	seq.s32 s7, s2  }
0x1e: {  	s7 =	smul.u32 @!p0 $0xF7A, s2;
	p2 =	seq.s32 @!p0 s5, $0x0  }
0x1f: {  	s9 =	smul.u32 $0xF7A, s1;
	s8 =	simm.s32 @!p0 $0x1BF5;
	p2 =	por !p2, p0  }
0x20: {  	[sflag:s8] =	ssyncset.s32 @!p0 $0xFFFFF086;
	s6 =	sadd.s32 @!p0 s3, s7;
	s7 =	simm.s32 @!p0 $0x108  }
0x21: {  	s3 =	sadd.s32 s3, s9;
	s6 =	sadd.s32 @!p0 $0x88, s6;
	s7 =	simm.s32 @p2 $0x1082  }
0x22: {  	[simem:s7], [sflag:s8] =	dma.local @!p0 [hbm:s6], $0xF7A  }
0x23: {  	s9 =	sor.u32 $0xD0000000, s2;
	s6 =	simm.s32 $0x108;
	_ =	swait.ge @!p0 [sflag:s8], $0x0  }
0x24: {  	s3 =	sadd.s32 $0x88, s3;
	s6 =	simm.s32 @!p1 $0x1082;
	[sflag:s4] =	ssyncset.s32 $0xFFFFF086  }
0x25: {  	[simem:s6], [sflag:s4] =	dma.local [hbm:s3], $0xF7A  }
0x26: {  	[smem:$0x3F9F] =	sst s1;
	(tag) =	ssettag s2;
	_ =	strace s9  }
0x27: {  	s1 =	sld [smem:$0x3FAF]  }
0x28: {  	s2 =	sld [smem:$0x3FB0]  }
0x29: {  	s4 =	sld [smem:$0x3FB2]  }
0x2a: {  	p0 =	seq.s32 s5, $0x0;
	s5 =	sld [smem:$0x3FB3]  }
0x2b: {  	s6 =	sld [smem:$0x3FB4]  }
0x2c: {  	s7 =	sld [smem:$0x3FB5]  }
0x2d: {  	s3 =	simm.s32 $0x108;
	s8 =	sld [smem:$0x3FB6]  }
0x2e: {  	s3 =	simm.s32 @!p0 $0x1082;
	s9 =	sld [smem:$0x3FB7]  }
0x2f: {  	lr =	sadd.s32 s0, s3;
	s0 =	sld [smem:$0x3FAE]  }
0x30: {  	s3 =	sld [smem:$0x3FB1]  }
0x31: {  	[smem:$0x3FBA] =	sst s10  }
0x32: {  	s10 =	sld [smem:$0x3FB8];
	_ =	sdelay $0x3  }
0x33: {  	p0 =	seq.s32 s10, $0x1;
	s10 =	sld [smem:$0x3FBA];
	_ =	sdelay $0x3  }
0x34: {  	[smem:$0x3FBA] =	sst s10  }
0x35: {  	s10 =	sld [smem:$0x3FB9];
	_ =	sdelay $0x3  }
0x36: {  	p1 =	seq.s32 s10, $0x1;
	s10 =	sld [smem:$0x3FBA];
	_ =	sdelay $0x3  }
0x37: {  	[smem:$0x3FBA] =	sst s10  }
0x38: {  	s10 =	sld [smem:$0x3FBB]  }
0x39: {  	_ = 	snop;
	(pc) =	sbr.ind lr, $3  }
0x3a: {  	_ = 	snop  }
0x3b: {  	_ = 	snop  }
0x3c: {  	p2 =	seq.s32 s10, $0x1;
	s10 =	sld [smem:$0x3FBA]  }
0x3d: {  	_ =	shalt  }
0x3e: {  	_ =	shalt  }
0x3f: {  	_ =	shalt  }
0x40: {  	_ =	shalt  }
0x41: {  	_ =	shalt  }
0x42: {  	_ =	shalt  }
0x43: {  	_ =	shalt  }
0x44: {  	_ =	shalt  }
0x45: {  	_ =	shalt  }
0x46: {  	_ =	shalt  }
0x47: {  	_ =	shalt  }
0x48: {  	_ =	shalt  }
0x49: {  	_ =	shalt  }
0x4a: {  	_ =	shalt  }
0x4b: {  	_ =	shalt  }
0x4c: {  	_ =	shalt  }
0x4d: {  	_ =	shalt  }
0x4e: {  	_ =	shalt  }
0x4f: {  	_ =	shalt  }
0x50: {  	_ =	shalt  }
0x51: {  	_ =	shalt  }
0x52: {  	_ =	shalt  }
0x53: {  	_ =	shalt  }
0x54: {  	_ =	shalt  }
0x55: {  	_ =	shalt  }
0x56: {  	_ =	shalt  }
0x57: {  	_ =	shalt  }
0x58: {  	_ =	shalt  }
0x59: {  	_ =	shalt  }
0x5a: {  	_ =	shalt  }
0x5b: {  	_ =	shalt  }
0x5c: {  	_ =	shalt  }
0x5d: {  	_ =	shalt  }
0x5e: {  	_ =	shalt  }
0x5f: {  	_ =	shalt  }
0x60: {  	_ =	shalt  }
0x61: {  	_ =	shalt  }
0x62: {  	_ =	shalt  }
0x63: {  	_ =	shalt  }
0x64: {  	_ =	shalt  }
0x65: {  	_ =	shalt  }
0x66: {  	_ =	shalt  }
0x67: {  	_ =	shalt  }
0x68: {  	_ =	shalt  }
0x69: {  	_ =	shalt  }
0x6a: {  	_ =	shalt  }
0x6b: {  	_ =	shalt  }
0x6c: {  	_ =	shalt  }
0x6d: {  	_ =	shalt  }
0x6e: {  	_ =	shalt  }
0x6f: {  	_ =	shalt  }
0x70: {  	_ =	shalt  }
0x71: {  	_ =	shalt  }
0x72: {  	_ =	shalt  }
0x73: {  	_ =	shalt  }
0x74: {  	_ =	shalt  }
0x75: {  	_ =	shalt  }
0x76: {  	_ =	shalt  }
0x77: {  	_ =	shalt  }
0x78: {  	_ =	shalt  }
0x79: {  	_ =	shalt  }
0x7a: {  	_ =	shalt  }
0x7b: {  	_ =	shalt  }
0x7c: {  	_ =	shalt  }
0x7d: {  	_ =	shalt  }
0x7e: {  	_ =	shalt  }
0x7f: {  	_ =	shalt  }
0x80: {  	_ =	shalt  }
0x81: {  	_ =	shalt  }
0x82: {  	_ =	shalt  }
0x83: {  	_ =	shalt  }
0x84: {  	_ =	shalt  }
0x85: {  	_ =	shalt  }
0x86: {  	_ =	shalt  }
0x87: {  	_ =	shalt  }
.Lfunc_end0:
.L_simem_size_0:
called_computation_lowered:
.L_overlay_start_0:
0x88: {  	s2 =	sld [smem:$0x3FD9]  }
0x89: {  	s3 =	sld [smem:$0x3FFE];
	_ =	sdelay $0x1  }
0x8a: {  	s1 =	srdreg.scid  }
0x8b: {  	s0 =	sand.u32 $0x1, s1  }
0x8c: {  	s17 =	sshll.u32 s0, $0xA;
	s2 =	sadd.s32 s3, s2  }
0x8d: {  	s2 =	sadd.s32 s2, s17  }
0x8e: {  	[smem:$0x3FC6] =	sst s2  }
0x8f: {  	_ = 	snop  }
0x90: {  	s2 =	sld [smem:$0x3FC9]  }
0x91: {  	s18 =	sld [smem:$0x3FD0];
	(tm) =	ssettm $0x1  }
0x92: {  	s4 =	sld [smem:$0x3FFB];
	_ =	sdelay $0x3  }
0x93: {  	_ =	strace s4  }
0x94: {  	s4 =	sld [smem:$0x3FFC];
	_ =	sdelay $0x3  }
0x95: {  	_ =	strace s4  }
0x96: {  	s4 =	sld [smem:$0x3FFD];
	_ =	sdelay $0x3  }
0x97: {  	_ =	strace s4  }
0x98: {  	_ =	strace $0x8FFFFFFF  }
0x99: {  	s19 =	sld [smem:$0x3FDB];
	_ =	sdelay $0x1  }
0x9a: {  	s5 =	simm.s32 $_scs_section_size  }
0x9b: {  	s6 =	simm.s32 $_size__tile_overlayer_lowered;
	s7 =	simm.s32 $_tile_overlayer_lowered  }
0x9c: {  	s22 =	simm.s32 $0x1BFF;
	s21 =	sshll.u32 s7, $0x1;
	s4 =	sadd.s32 s5, s19  }
0x9d: {  	s8 =	simm.s32 $0x0;
	s20 =	sshll.u32 s6, $0x1;
	s6 =	sadd.s32 s21, s4  }
0x9e: {  	[timem:s8], [sflag:s22] =	dma.local [hbm:s6], s20  }
0x9f: {  	_ =	swait.ge [sflag:s22], s20  }
0xa0: {  	s5 =	ssub.s32 $0x0, s20;
	[sflag:s22] =	ssyncset.done $0x0  }
0xa1: {  	[sflag:s22] =	ssyncadd.s32 s5;
	_ =	sdelay $0x1  }
0xa2: {  	s23 =	simm.s32 $0x1B8B  }
0xa3: {  	_ =	swait.ge [sflag:s23], $0x1  }
0xa4: {  	[sflag:s23] =	ssyncset.done $0x0  }
0xa5: {  	s25 =	simm.s32 $0x1B8E;
	s24 =	sld [smem:$0x3FFE];
	[sflag:s23] =	ssyncadd.s32 $0xFFFFFFFF  }
0xa6: {  	s26 =	simm.s32 $execute0_lowered;
	[smem:$0x3FD2] =	sst s25  }
0xa7: {  	s6 =	sshll.u32 s26, $0x1;
	_ =	strace $0x80000046;
	[dreg:$0x1] =	wrdreg $0xFFFFFFFF  }
0xa8: {  	s28 =	simm.s32 $_size_execute0_lowered;
	s4 =	sadd.s32 s4, s6;
	[dreg:$0x0] =	wrdreg $0x0  }
0xa9: {  	s6 =	sshll.u32 s28, $0x1;
	[dreg:$0x2] =	wrdreg s4  }
0xaa: {  	[dreg:$0x3] =	wrdreg s6  }
0xab: {  	[dreg:$0x4] =	wrdreg $0xC0  }
0xac: {  	_ =	task [dreg:s8], $0x5FFFF  }
0xad: {  	[dreg:$0x1] =	wrdreg $0xFFFFFFFF  }
0xae: {  	[dreg:$0x0] =	wrdreg $0x60  }
0xaf: {  	[dreg:$0x2] =	wrdreg s2  }
0xb0: {  	[dreg:$0x3] =	wrdreg s24  }
0xb1: {  	[dreg:$0x4] =	wrdreg s18  }
0xb2: {  	[dreg:$0x5] =	wrdreg $0x9  }
0xb3: {  	_ =	task.clear_ibuf [dreg:s8], $0x6FFFF;
	_ =	strace $0x90000046  }
0xb4: {  	s29 =	simm.s32 $0x9;
	_ =	strace $0x80000048  }
0xb5: {  	_ =	swait.ge [sflag:s29], $0x1  }
0xb6: {  	[sflag:s29] =	ssyncadd.s32 $0xFFFFFFFF  }
0xb7: {  	_ =	strace $0x90000048  }
0xb8: {  	_ =	sfence  }
0xb9: {  	s30 =	sld [smem:$0x0];
	_ =	sdelay $0x2  }
0xba: {  	s31 =	sshll.u32 s1, $0xD;
	s1 =	sshrl.u32 s1, $0x2  }
0xbb: {  	s3 =	sand.u32 $0x4000, s31;
	s1 =	sadd.s32 s1, s30  }
0xbc: {  	s0 =	sor.u32 s3, s0;
	s1 =	sshll.u32 s1, $0x11  }
0xbd: {  	s0 =	sor.u32 s1, s0  }
0xbe: {  	s0 =	sadd.s32 $0x8F2B, s0  }
0xbf: {  	[sflag:s0] =	ssyncadd.remote.s32 $0x1  }
0xc0: {  	_ =	sfence.sel $0xFFFF  }
0xc1: {  	[dreg:$0x0] =	wrdreg $0xFFFFFFFF;
	(pc) =	sbr.abs _section_cstart, $3  }
0xc2: {  	[dreg:$0x1] =	wrdreg $0xFFFFFFFF  }
0xc3: {  	_ =	task.clear_ibuf [dreg:s8], $0x2FFFF;
	_ =	strace $0x9FFFFFFF  }
0xc4: {  	(tm) =	ssettm $0x7FFFFFFF  }
0xc5: {  	_ =	shalt  }
tec
execute0_lowered:
.L_overlay_start_1:
0x0: {  	(tag) =	ssettag $0x1  }
0x1: {  	s1 =	rddreg [dreg:$0x0]  }
0x2: {  	s4 =	rddreg [dreg:$0x1]  }
0x3: {  	s8 =	rddreg [dreg:$0x2]  }
0x4: {  	s0 =	rddreg [dreg:$0x3];
	s5 =	srdreg.scid  }
0x5: {  	s3 =	simm.s32 $0x0;
	s2 =	stileid.u32;
	s11 =	simm.s32 $0x80  }
0x6: {  	s12 =	simm.s32 $0x200;
	s13 =	simm.s32 $0x300;
	s14 =	simm.s32 $0x280  }
0x7: {  	s17 =	simm.s32 $0x8400;
	s20 =	simm.s32 $0x0;
	s5 =	sand.u32 $0x1, s5  }
0x8: {  	[smem:$0x7FF] =	sst s3;
	s7 =	sshll.u32 s2, $0xA;
	s10 =	sshll.u32 s2, $0x12  }
0x9: {  	s6 =	sshll.u32 s5, $0x9;
	_ =	strace $0x80000047;
	s5 =	ssub.s32 $0x2, s5  }
0xa: {  	s7 =	sor.u32 s6, s7;
	s9 =	sshrl.u32 s5, $0x1;
	s15 =	sor.u32 s6, s10  }
0xb: {  	s10 =	simm.s32 $0x1;
	s7 =	sshrl.u32 s7, $0x3;
	s9 =	ssub.s32 s5, s9  }
0xc: {  	s16 =	sor.u32 $0x80, s15;
	s28 =	sshrl.u32 s15, $0x3;
	s18 =	sor.u32 $0x100, s15  }
0xd: {  	s19 =	sor.u32 $0x180, s15;
	v0 =	vmov s15;
	s15 =	simm.s32 $0x380;
	s4 =	sadd.s32 s7, s4  }
0xe: {  	s5 =	sadd.s32 s8, s28;
	s29 =	sshrl.u32 s16, $0x3;
	s30 =	sshrl.u32 s18, $0x3  }
0xf: {  	s31 =	sshrl.u32 s19, $0x3;
	s9 =	smax.u32 s9, $0x1;
	v1 =	vmov s16;
	s16 =	simm.s32 $0x400  }
0x10: {  	v2 =	vmov s18;
	v3 =	vmov s19;
	s18 =	simm.s32 $0x2;
	s19 =	simm.s32 $0x3;
	s4 =	sadd.s32 $0x400, s4  }
0x11: {  	v4 =	vimm.f32 $-Inf;
	s6 =	sadd.s32 s8, s29;
	s7 =	sadd.s32 s8, s30;
	s8 =	sadd.s32 s8, s31  }
.LBB2_1:
0x12: {  	[tilespmem:s3], [sflag:$0x1] =	stream.linear.gather [hbm4b:s4+s3], $0x200, $0x38;
	[tilespmem:$0x10400] =	vst v63  }
0x13: {  	s21 =	simm.s32 $0x0;
	s22 =	simm.s32 $0x200  }
.LBB2_2:
0x14: {  	p0 =	sne.s32 s22, $0x1FE00;
	[tilespmem:s21+$0x470] =	vst v4  }
0x15: {  	[tilespmem:s21+$0x400] =	vst v4  }
0x16: {  	[tilespmem:s21+$0x410] =	vst v4  }
.Ltmp0:
0x17: {  	[tilespmem:s21+$0x420] =	vst v4;
	(pc) =	sbr.rel @p0 .LBB2_2-.Ltmp0, $4  }
0x18: {  	[tilespmem:s21+$0x430] =	vst v4  }
0x19: {  	[tilespmem:s21+$0x440] =	vst v4  }
0x1a: {  	[tilespmem:s21+$0x450] =	vst v4  }
0x1b: {  	[tilespmem:s21+$0x460] =	vst v4;
	s21 =	sshra.s32 s22, $0x2;
	s22 =	sadd.s32 $0x200, s22  }
0x1c: {  	[tilespmem:s21+$0x470] =	vst v4  }
0x1d: {  	[tilespmem:s21+$0x400] =	vst v4  }
0x1e: {  	[tilespmem:s21+$0x410] =	vst v4  }
0x1f: {  	[tilespmem:s21+$0x420] =	vst v4  }
0x20: {  	[tilespmem:s21+$0x430] =	vst v4  }
0x21: {  	[tilespmem:s21+$0x440] =	vst v4  }
0x22: {  	[tilespmem:s21+$0x450] =	vst v4  }
0x23: {  	[tilespmem:s21+$0x460] =	vst v4  }
0x24: {  	_ =	swait.ge [sflag:s10], $0x200  }
0x25: {  	[sflag:s10] =	ssyncset.done $0x0  }
0x26: {  	[sflag:s10] =	ssyncadd.s32 $0xFFFFFE00  }
0x27: {  	v5 =	vld [tilespmem:$0x0]  }
0x28: {  	v6 =	vld [tilespmem:$0x10]  }
0x29: {  	v7 =	vld [tilespmem:$0x20]  }
0x2a: {  	v9 =	vld [tilespmem:$0x30]  }
0x2b: {  	v11 =	vld [tilespmem:$0x80]  }
0x2c: {  	v12 =	vld [tilespmem:$0x90]  }
0x2d: {  	v13 =	vld [tilespmem:$0xA0]  }
0x2e: {  	v15 =	vld [tilespmem:$0xB0]  }
0x2f: {  	v38 =	vld [tilespmem:$0x100]  }
0x30: {  	v16 =	vld [tilespmem:$0x110]  }
0x31: {  	v18 =	vld [tilespmem:$0x120];
	v8 =	vshll.u32 v5, $0x3  }
0x32: {  	v44 =	vld [tilespmem:$0x130];
	v5 =	vand.u32 $0x7F, v5;
	v10 =	vshll.u32 v6, $0x3;
	v6 =	vand.u32 $0x7F, v6  }
0x33: {  	v46 =	vld [tilespmem:$0x180];
	v31 =	vshll.u32 v7, $0x3;
	v33 =	vshll.u32 v9, $0x3;
	v7 =	vand.u32 $0x7F, v7  }
0x34: {  	v50 =	vld [tilespmem:$0x190];
	v9 =	vand.u32 $0x7F, v9;
	v14 =	vshll.u32 v11, $0x3;
	v36 =	vand.u32 $0x7F, v11  }
0x35: {  	v54 =	vld [tilespmem:$0x1A0];
	v37 =	vshll.u32 v12, $0x3;
	v40 =	vshll.u32 v13, $0x3;
	v12 =	vand.u32 $0x7F, v12  }
0x36: {  	v57 =	vld [tilespmem:$0x1B0];
	v13 =	vand.u32 $0x7F, v13;
	v17 =	vshll.u32 v15, $0x3;
	v42 =	vand.u32 $0x7F, v15  }
0x37: {  	v43 =	vshll.u32 v38, $0x3;
	v45 =	vshll.u32 v16, $0x3;
	v48 =	vand.u32 $0x7F, v16  }
0x38: {  	v49 =	vshll.u32 v18, $0x3;
	v52 =	vand.u32 $0x7F, v18;
	v53 =	vshll.u32 v44, $0x3  }
0x39: {  	v56 =	vshll.u32 v46, $0x3;
	v58 =	vand.u32 $0x7F, v44;
	v59 =	vand.u32 $0x7F, v46  }
0x3a: {  	v60 =	vshll.u32 v50, $0x3;
	v61 =	vand.u32 $0x7F, v50;
	v62 =	vshll.u32 v54, $0x3  }
0x3b: {  	v63 =	vshll.u32 v57, $0x3;
	v8 =	vand.u32 $0xFFFFFC00, v8;
	v30 =	vand.u32 $0xFFFFFC00, v10  }
0x3c: {  	v32 =	vand.u32 $0xFFFFFC00, v31;
	v10 =	vand.u32 $0xFFFFFC00, v33;
	v8 =	vadd.s32 v0, v8  }
0x3d: {  	v11 =	vand.u32 $0xFFFFFC00, v40;
	v10 =	vadd.s32 v0, v10;
	v5 =	vor.u32 v5, v8  }
0x3e: {  	v35 =	vand.u32 $0xFFFFFC00, v14;
	v11 =	vadd.s32 v1, v11;
	v34 =	vor.u32 v9, v10;
	[tilespmem:$0x200] =	vst v5  }
0x3f: {  	v39 =	vand.u32 $0xFFFFFC00, v37;
	v8 =	vadd.s32 v0, v30;
	v11 =	vor.u32 v13, v11;
	[tilespmem:$0x230] =	vst v34  }
0x40: {  	v41 =	vand.u32 $0xFFFFFC00, v17;
	v9 =	vadd.s32 v1, v35;
	v6 =	vor.u32 v6, v8;
	[tilespmem:$0x260] =	vst v11  }
0x41: {  	v51 =	vand.u32 $0xFFFFFC00, v49;
	v10 =	vadd.s32 v1, v39;
	v9 =	vor.u32 v36, v9;
	[tilespmem:$0x210] =	vst v6  }
0x42: {  	v8 =	vadd.s32 v0, v32;
	v10 =	vor.u32 v12, v10;
	v5 =	vadd.s32 v1, v41;
	[tilespmem:$0x240] =	vst v9  }
0x43: {  	v12 =	vand.u32 $0xFFFFFC00, v45;
	v7 =	vor.u32 v7, v8;
	v5 =	vor.u32 v42, v5;
	[tilespmem:$0x250] =	vst v10  }
0x44: {  	v6 =	vand.u32 $0xFFFFFC00, v43;
	v47 =	vadd.s32 v2, v12;
	v8 =	vadd.s32 v2, v51;
	[tilespmem:$0x220] =	vst v7  }
0x45: {  	v6 =	vadd.s32 v2, v6;
	v7 =	vand.u32 $0x7F, v38;
	v8 =	vor.u32 v52, v8;
	[tilespmem:$0x270] =	vst v5  }
0x46: {  	v55 =	vand.u32 $0xFFFFFC00, v53;
	v6 =	vor.u32 v7, v6;
	v7 =	vor.u32 v48, v47;
	[tilespmem:$0x2A0] =	vst v8  }
0x47: {  	v10 =	vand.u32 $0xFFFFFC00, v56;
	v5 =	vadd.s32 v2, v55;
	[tilespmem:$0x290] =	vst v7;
	v7 =	vand.u32 $0xFFFFFC00, v60  }
0x48: {  	v5 =	vor.u32 v58, v5;
	[tilespmem:$0x280] =	vst v6;
	v6 =	vadd.s32 v3, v10;
	v7 =	vadd.s32 v3, v7  }
0x49: {  	[tilespmem:$0x2B0] =	vst v5;
	v6 =	vor.u32 v59, v6;
	v5 =	vor.u32 v61, v7;
	v7 =	vand.u32 $0xFFFFFC00, v62  }
0x4a: {  	v8 =	vand.u32 $0xFFFFFC00, v63;
	[tilespmem:$0x2C0] =	vst v6;
	v6 =	vadd.s32 v3, v7;
	v7 =	vand.u32 $0x7F, v54  }
0x4b: {  	[tilespmem:$0x2D0] =	vst v5;
	v5 =	vor.u32 v7, v6;
	v6 =	vadd.s32 v3, v8;
	v7 =	vand.u32 $0x7F, v57  }
0x4c: {  	[tilespmem:$0x2E0] =	vst v5;
	v5 =	vor.u32 v7, v6  }
0x4d: {  	[tilespmem:$0x2F0] =	vst v5  }
0x4e: {  	[tilespmem:s13], [sflag:$0x1] =	stream.indirect.gather [hbm4b:s1+s11], $0x1, s12, s11, $0xb8;
	[tilespmem:$0x10400] =	vst v63  }
0x4f: {  	s21 =	simm.s32 $0x0;
	s22 =	simm.s32 $0x200  }
0x50: {  	[tilespmem:s15], [sflag:$0x1] =	stream.indirect.gather [hbm4b:s1+s11], $0x1, s14, s11, $0xb8;
	[tilespmem:$0x10400] =	vst v63  }
.LBB2_4:
0x51: {  	p0 =	sne.s32 s22, $0x1FE00;
	[tilespmem:s21+$0x8470] =	vst v4  }
0x52: {  	[tilespmem:s21+$0x8400] =	vst v4  }
0x53: {  	[tilespmem:s21+$0x8410] =	vst v4  }
.Ltmp1:
0x54: {  	[tilespmem:s21+$0x8420] =	vst v4;
	(pc) =	sbr.rel @p0 .LBB2_4-.Ltmp1, $4  }
0x55: {  	[tilespmem:s21+$0x8430] =	vst v4  }
0x56: {  	[tilespmem:s21+$0x8440] =	vst v4  }
0x57: {  	[tilespmem:s21+$0x8450] =	vst v4  }
0x58: {  	[tilespmem:s21+$0x8460] =	vst v4;
	s21 =	sshra.s32 s22, $0x2;
	s22 =	sadd.s32 $0x200, s22  }
0x59: {  	[tilespmem:s21+$0x8470] =	vst v4  }
0x5a: {  	[tilespmem:s21+$0x8400] =	vst v4  }
0x5b: {  	[tilespmem:s21+$0x8410] =	vst v4  }
0x5c: {  	[tilespmem:s21+$0x8420] =	vst v4  }
0x5d: {  	[tilespmem:s21+$0x8430] =	vst v4  }
0x5e: {  	[tilespmem:s21+$0x8440] =	vst v4  }
0x5f: {  	[tilespmem:s21+$0x8450] =	vst v4  }
0x60: {  	[tilespmem:s21+$0x8460] =	vst v4  }
0x61: {  	_ =	swait.ge [sflag:s10], $0x80  }
0x62: {  	[sflag:s10] =	ssyncset.done $0x0  }
0x63: {  	[sflag:s10] =	ssyncadd.s32 $0xFFFFFF80  }
0x64: {  	_ =	swait.ge [sflag:s10], $0x80  }
0x65: {  	[sflag:s10] =	ssyncset.done $0x0  }
0x66: {  	[sflag:s10] =	ssyncadd.s32 $0xFFFFFF80  }
0x67: {  	v5 =	vld [tilespmem:$0x300]  }
0x68: {  	v6 =	vld [tilespmem:$0x310]  }
0x69: {  	v7 =	vld [tilespmem:$0x320]  }
0x6a: {  	v8 =	vld [tilespmem:$0x330]  }
0x6b: {  	v9 =	vld [tilespmem:$0x340]  }
0x6c: {  	v10 =	vld [tilespmem:$0x350]  }
0x6d: {  	v11 =	vld [tilespmem:$0x360];
	vm0 =	veq.f32 v6, $0.0e+00  }
0x6e: {  	v12 =	vld [tilespmem:$0x370];
	vm13 =	veq.f32 v7, $0.0e+00;
	v6 =	vsel vm0, $0xFF800000, v6  }
0x6f: {  	v57 =	vld [tilespmem:$0x390];
	vm14 =	veq.f32 v8, $0.0e+00;
	[tilespmem:$0x310] =	vst v6;
	v6 =	vsel vm13, $0xFF800000, v7  }
0x70: {  	vm15 =	veq.f32 v9, $0.0e+00;
	v7 =	vld [tilespmem:$0x380];
	[tilespmem:$0x320] =	vst v6;
	v6 =	vsel vm14, $0xFF800000, v8  }
0x71: {  	v58 =	vld [tilespmem:$0x3A0];
	vm4 =	veq.f32 v10, $0.0e+00;
	[tilespmem:$0x330] =	vst v6;
	v6 =	vsel vm15, $0xFF800000, v9  }
0x72: {  	v59 =	vld [tilespmem:$0x3B0];
	vm15 =	veq.f32 v5, $0.0e+00;
	[tilespmem:$0x340] =	vst v6;
	v6 =	vsel vm4, $0xFF800000, v10  }
0x73: {  	v60 =	vld [tilespmem:$0x3C0];
	vm5 =	veq.f32 v11, $0.0e+00;
	v5 =	vsel vm15, $0xFF800000, v5;
	[tilespmem:$0x350] =	vst v6  }
0x74: {  	v61 =	vld [tilespmem:$0x3D0];
	vm6 =	veq.f32 v12, $0.0e+00;
	v6 =	vsel vm5, $0xFF800000, v11;
	[tilespmem:$0x300] =	vst v5  }
0x75: {  	v62 =	vld [tilespmem:$0x3F0];
	[tilespmem:$0x360] =	vst v6;
	v6 =	vsel vm6, $0xFF800000, v12;
	vm7 =	veq.f32 v7, $0.0e+00  }
0x76: {  	vm8 =	veq.f32 v57, $0.0e+00;
	[tilespmem:$0x370] =	vst v6;
	v6 =	vsel vm7, $0xFF800000, v7;
	v7 =	vld [tilespmem:$0x3E0]  }
0x77: {  	v63 =	vld [tilespmem:$0x0];
	vm9 =	veq.f32 v58, $0.0e+00;
	[tilespmem:$0x380] =	vst v6;
	v6 =	vsel vm8, $0xFF800000, v57  }
0x78: {  	vm10 =	veq.f32 v59, $0.0e+00;
	[tilespmem:$0x390] =	vst v6;
	v6 =	vsel vm9, $0xFF800000, v58  }
0x79: {  	vm11 =	veq.f32 v60, $0.0e+00;
	[tilespmem:$0x3A0] =	vst v6;
	v6 =	vsel vm10, $0xFF800000, v59  }
0x7a: {  	vm12 =	veq.f32 v61, $0.0e+00;
	[tilespmem:$0x3B0] =	vst v6;
	v6 =	vsel vm11, $0xFF800000, v60  }
0x7b: {  	[tilespmem:$0x3C0] =	vst v6;
	v6 =	vsel vm12, $0xFF800000, v61;
	vm13 =	veq.f32 v7, $0.0e+00  }
0x7c: {  	vm14 =	veq.f32 v62, $0.0e+00;
	[tilespmem:$0x3D0] =	vst v6;
	v6 =	vsel vm13, $0xFF800000, v7  }
0x7d: {  	[tilespmem:$0x3E0] =	vst v6;
	v6 =	vsel vm14, $0xFF800000, v62  }
0x7e: {  	[tilespmem:$0x3F0] =	vst v6  }
0x7f: {  	[tilespmem:v63+s16+$0x0] =	vst.idx.msk $0xffff, v5  }
0x80: {  	v5 =	vld [tilespmem:$0x10];
	_ =	sdelay $0x2  }
0x81: {  	v6 =	vld [tilespmem:$0x310];
	_ =	sdelay $0x4  }
0x82: {  	[tilespmem:v5+s16+$0x0] =	vst.idx.msk $0xffff, v6  }
0x83: {  	v5 =	vld [tilespmem:$0x20];
	_ =	sdelay $0x2  }
0x84: {  	v6 =	vld [tilespmem:$0x320];
	_ =	sdelay $0x4  }
0x85: {  	[tilespmem:v5+s16+$0x0] =	vst.idx.msk $0xffff, v6  }
0x86: {  	v5 =	vld [tilespmem:$0x30];
	_ =	sdelay $0x2  }
0x87: {  	v6 =	vld [tilespmem:$0x330];
	_ =	sdelay $0x4  }
0x88: {  	[tilespmem:v5+s16+$0x0] =	vst.idx.msk $0xffff, v6  }
0x89: {  	[hbm4b:s5+s11] =	stream.strided.scatter [tilespmem:s16], [sflag:$0x2], $0x8000, s16, s11, $0x38;
	[tilespmem:$0x10400] =	vst v63  }
0x8a: {  	v5 =	vld [tilespmem:$0x80];
	_ =	sdelay $0x2  }
0x8b: {  	v6 =	vld [tilespmem:$0x340];
	_ =	sdelay $0x4  }
0x8c: {  	[tilespmem:v5+s17+$0x0] =	vst.idx.msk $0xffff, v6  }
0x8d: {  	v5 =	vld [tilespmem:$0x90];
	_ =	sdelay $0x2  }
0x8e: {  	v6 =	vld [tilespmem:$0x350];
	_ =	sdelay $0x4  }
0x8f: {  	[tilespmem:v5+s17+$0x0] =	vst.idx.msk $0xffff, v6  }
0x90: {  	v5 =	vld [tilespmem:$0xA0];
	_ =	sdelay $0x2  }
0x91: {  	v6 =	vld [tilespmem:$0x360];
	_ =	sdelay $0x4  }
0x92: {  	[tilespmem:v5+s17+$0x0] =	vst.idx.msk $0xffff, v6  }
0x93: {  	v5 =	vld [tilespmem:$0xB0];
	_ =	sdelay $0x2  }
0x94: {  	v6 =	vld [tilespmem:$0x370];
	_ =	sdelay $0x4  }
0x95: {  	[tilespmem:v5+s17+$0x0] =	vst.idx.msk $0xffff, v6  }
0x96: {  	[hbm4b:s6+s11] =	stream.strided.scatter [tilespmem:s17], [sflag:$0x3], $0x8000, s16, s11, $0x38;
	[tilespmem:$0x10400] =	vst v63  }
0x97: {  	_ =	swait.ge [sflag:s18], $0x8000  }
0x98: {  	[sflag:s18] =	ssyncset.done $0x0  }
0x99: {  	[sflag:s18] =	ssyncadd.s32 $0xFFFF8000  }
0x9a: {  	v5 =	vld [tilespmem:$0x0];
	_ =	sdelay $0x7  }
0x9b: {  	[tilespmem:v5+s16+$0x0] =	vst.idx.msk $0xffff, v4  }
0x9c: {  	v5 =	vld [tilespmem:$0x10];
	_ =	sdelay $0x7  }
0x9d: {  	[tilespmem:v5+s16+$0x0] =	vst.idx.msk $0xffff, v4  }
0x9e: {  	v5 =	vld [tilespmem:$0x20];
	_ =	sdelay $0x7  }
0x9f: {  	[tilespmem:v5+s16+$0x0] =	vst.idx.msk $0xffff, v4  }
0xa0: {  	v5 =	vld [tilespmem:$0x30];
	_ =	sdelay $0x7  }
0xa1: {  	[tilespmem:v5+s16+$0x0] =	vst.idx.msk $0xffff, v4  }
0xa2: {  	v5 =	vld [tilespmem:$0x100];
	_ =	sdelay $0x2  }
0xa3: {  	v6 =	vld [tilespmem:$0x380];
	_ =	sdelay $0x4  }
0xa4: {  	[tilespmem:v5+s16+$0x0] =	vst.idx.msk $0xffff, v6  }
0xa5: {  	v5 =	vld [tilespmem:$0x110];
	_ =	sdelay $0x2  }
0xa6: {  	v6 =	vld [tilespmem:$0x390];
	_ =	sdelay $0x4  }
0xa7: {  	[tilespmem:v5+s16+$0x0] =	vst.idx.msk $0xffff, v6  }
0xa8: {  	v5 =	vld [tilespmem:$0x120];
	_ =	sdelay $0x2  }
0xa9: {  	v6 =	vld [tilespmem:$0x3A0];
	_ =	sdelay $0x4  }
0xaa: {  	[tilespmem:v5+s16+$0x0] =	vst.idx.msk $0xffff, v6  }
0xab: {  	v5 =	vld [tilespmem:$0x130];
	_ =	sdelay $0x2  }
0xac: {  	v6 =	vld [tilespmem:$0x3B0];
	_ =	sdelay $0x4  }
0xad: {  	[tilespmem:v5+s16+$0x0] =	vst.idx.msk $0xffff, v6  }
0xae: {  	[hbm4b:s7+s11] =	stream.strided.scatter [tilespmem:s16], [sflag:$0x2], $0x8000, s16, s11, $0x38;
	[tilespmem:$0x10400] =	vst v63  }
0xaf: {  	_ =	swait.ge [sflag:s19], $0x8000  }
0xb0: {  	[sflag:s19] =	ssyncset.done $0x0  }
0xb1: {  	[sflag:s19] =	ssyncadd.s32 $0xFFFF8000  }
0xb2: {  	v5 =	vld [tilespmem:$0x80];
	_ =	sdelay $0x7  }
0xb3: {  	[tilespmem:v5+s17+$0x0] =	vst.idx.msk $0xffff, v4  }
0xb4: {  	v5 =	vld [tilespmem:$0x90];
	_ =	sdelay $0x7  }
0xb5: {  	[tilespmem:v5+s17+$0x0] =	vst.idx.msk $0xffff, v4  }
0xb6: {  	v5 =	vld [tilespmem:$0xA0];
	_ =	sdelay $0x7  }
0xb7: {  	[tilespmem:v5+s17+$0x0] =	vst.idx.msk $0xffff, v4  }
0xb8: {  	v5 =	vld [tilespmem:$0xB0];
	_ =	sdelay $0x7  }
0xb9: {  	[tilespmem:v5+s17+$0x0] =	vst.idx.msk $0xffff, v4  }
0xba: {  	v5 =	vld [tilespmem:$0x180];
	_ =	sdelay $0x2  }
0xbb: {  	v6 =	vld [tilespmem:$0x3C0];
	_ =	sdelay $0x4  }
0xbc: {  	[tilespmem:v5+s17+$0x0] =	vst.idx.msk $0xffff, v6  }
0xbd: {  	v5 =	vld [tilespmem:$0x190];
	_ =	sdelay $0x2  }
0xbe: {  	v6 =	vld [tilespmem:$0x3D0];
	_ =	sdelay $0x4  }
0xbf: {  	[tilespmem:v5+s17+$0x0] =	vst.idx.msk $0xffff, v6  }
0xc0: {  	v5 =	vld [tilespmem:$0x1A0];
	_ =	sdelay $0x2  }
0xc1: {  	v6 =	vld [tilespmem:$0x3E0];
	_ =	sdelay $0x4  }
0xc2: {  	[tilespmem:v5+s17+$0x0] =	vst.idx.msk $0xffff, v6  }
0xc3: {  	v5 =	vld [tilespmem:$0x1B0];
	_ =	sdelay $0x2  }
0xc4: {  	v6 =	vld [tilespmem:$0x3F0];
	_ =	sdelay $0x4  }
0xc5: {  	s20 =	sadd.s32 $0x1, s20;
	[tilespmem:v5+s17+$0x0] =	vst.idx.msk $0xffff, v6  }
0xc6: {  	[hbm4b:s8+s11] =	stream.strided.scatter [tilespmem:s17], [sflag:$0x3], $0x8000, s16, s11, $0x38;
	[tilespmem:$0x10400] =	vst v63  }
0xc7: {  	p0 =	sne.s32 s20, s9;
	_ =	swait.ge [sflag:s18], $0x8000  }
.Ltmp2:
0xc8: {  	[sflag:s18] =	ssyncset.done $0x0;
	(pc) =	sbr.rel @p0 .LBB2_1-.Ltmp2, $4  }
0xc9: {  	[sflag:s18] =	ssyncadd.s32 $0xFFFF8000  }
0xca: {  	_ =	swait.ge [sflag:s19], $0x8000  }
0xcb: {  	[sflag:s19] =	ssyncset.done $0x0  }
0xcc: {  	[sflag:s19] =	ssyncadd.s32 $0xFFFF8000  }
0xcd: {  	_ =	sfence.sel $0x180000  }
0xce: {  	[bflag:$0x0] =	sbarrier.arrive $0xFFFF  }
0xcf: {  	p0 =	sne.s32 s2, $0x0;
	_ =	strace $0x90000047  }
0xd0: {  	s0 =	sadd.s32 @!p0 $0x100000, s0;
	[bflag:$0x2] =	sbarrier.arrive $0xFFFF  }
0xd1: {  	[sflag:s0] =	ssyncadd.tile.s32 @!p0 $0x1;
	_ =	shalt  }
.Lfunc_end2:
_tile_overlayer_lowered:
.L_overlay_start_2:
0xd2: {  	(tag) =	ssettag $0x2  }
0xd3: {  	s0 =	rddreg [dreg:$0x0];
	s2 =	stileid.u32  }
0xd4: {  	s1 =	rddreg [dreg:$0x1];
	p0 =	sne.s32 s2, $0x0  }
0xd5: {  	s3 =	rddreg [dreg:$0x2];
	[bflag:$0x3] =	sbarrier.arrive $0xFFFF;
	s2 =	simm.s32 @!p0 $0x1C04  }
0xd6: {  	[timem:s3], [sflag:s2] =	dma.local @!p0 [hbm:s0], s1  }
0xd7: {  	s0 =	simm.s32 @!p0 $0x4  }
0xd8: {  	_ =	swait.ge @!p0 [sflag:s0], s1  }
0xd9: {  	s1 =	ssub.s32 @!p0 $0x0, s1;
	[sflag:s0] =	ssyncset.done @!p0 $0x0  }
0xda: {  	[sflag:s0] =	ssyncadd.s32 @!p0 s1  }
0xdb: {  	[bflag:$0x3] =	sbarrier.arrive $0xFFFF  }
0xdc: {  	_ =	shalt  }

</sc_bundles>
